<compile_context>
chip_gen: v7x
topology: tpu7x:2x2x1
jax: 0.10.2.dev20260603
libtpu: 0.0.44.dev20260713+nightly
codegen_flags: <defaults>
</compile_context>

<pallas_src>
import functools

import jax
import jax.numpy as jnp
from jax import lax
from jax.experimental import pallas as pl
from jax.experimental.pallas import tpu as pltpu
from jax.experimental.pallas import tpu_sc as plsc



def _table_body(embt_ref, w1a_ref, w2_ref, b2_ref, out_ref):
    et = embt_ref[...]
    ones = jnp.ones((1, et.shape[1]), jnp.float32)
    eaug = jnp.concatenate([et, ones], axis=0)
    h = lax.dot_general(w1a_ref[...], eaug, (((1,), (0,)), ((), ())),
                        preferred_element_type=jnp.float32)
    h = jnp.maximum(h, 0.0)
    logit = lax.dot_general(w2_ref[...], h, (((1,), (0,)), ((), ())),
                            preferred_element_type=jnp.float32)
    out_ref[...] = jax.nn.sigmoid(logit + b2_ref[0, 0]).reshape(logit.shape[1])


@functools.lru_cache(maxsize=None)
def _make_table_fn(vocab, hid, vblk):
    nblk = -(-vocab // vblk)
    hid2 = hid // 2
    return pl.pallas_call(
        _table_body,
        grid=(nblk,),
        in_specs=[
            pl.BlockSpec((hid, vblk), lambda i: (0, i)),
            pl.BlockSpec((hid2, hid + 1), lambda i: (0, 0)),
            pl.BlockSpec((1, hid2), lambda i: (0, 0)),
            pl.BlockSpec(memory_space=pltpu.SMEM),
        ],
        out_specs=pl.BlockSpec((vblk,), lambda i: (i,)),
        out_shape=jax.ShapeDtypeStruct((vocab,), jnp.float32),
        compiler_params=pltpu.CompilerParams(
            dimension_semantics=("arbitrary",)),
    )



@functools.lru_cache(maxsize=None)
def _make_gather_mean(vocab, batch, seq):
    info = plsc.get_sparse_core_info()
    nc, ns, lanes = info.num_cores, info.num_subcores, info.num_lanes
    nw = nc * ns
    assert batch % nw == 0
    cols_w = batch // nw
    ngrp = cols_w // lanes
    mesh = plsc.VectorSubcoreMesh(core_axis_name="c", subcore_axis_name="s")

    @functools.partial(
        pl.kernel,
        mesh=mesh,
        out_type=jax.ShapeDtypeStruct((batch,), jnp.float32),
        scratch_types=[
            pltpu.VMEM((seq, cols_w), jnp.int32),
            pltpu.VMEM((seq * cols_w,), jnp.int32),
            pltpu.VMEM((seq * cols_w,), jnp.float32),
            pltpu.VMEM((cols_w,), jnp.float32),
            pltpu.SemaphoreType.DMA,
        ],
    )
    def gather_mean(table_hbm, idst_hbm, out_hbm, idx2_v, idx_v, vals_v,
                    res_v, sem):
        wid = lax.axis_index("s") * nc + lax.axis_index("c")
        col0 = wid * cols_w
        pltpu.sync_copy(idst_hbm.at[:, pl.ds(col0, cols_w)], idx2_v)

        def flat(s, carry):
            o = pl.multiple_of(s * cols_w, 8)
            for g in range(ngrp):
                idx_v[pl.ds(o + g * lanes, lanes)] = idx2_v[s,
                                                           pl.ds(g * lanes,
                                                                 lanes)]
            return carry

        lax.fori_loop(0, seq, flat, 0)
        pltpu.async_copy(table_hbm.at[idx_v], vals_v, sem).wait()

        inv_s = jnp.float32(1.0 / seq)

        def grp(g, carry):
            o = pl.multiple_of(g * lanes, 8)
            acc = vals_v[pl.ds(o, lanes)]
            for s in range(1, seq):
                acc = acc + vals_v[pl.ds(s * cols_w + o, lanes)]
            res_v[pl.ds(o, lanes)] = acc * inv_s
            return carry

        lax.fori_loop(0, ngrp, grp, 0)
        pltpu.sync_copy(res_v, out_hbm.at[pl.ds(col0, cols_w)])

    return gather_mean



def kernel(input_ids, embed_table, W1, b1, W2, b2):
    batch, seq = input_ids.shape
    vocab, hid = embed_table.shape
    vblk = 32768
    table_fn = _make_table_fn(vocab, hid, vblk)
    emb_t = embed_table.T
    w1a = jnp.concatenate([W1, b1[:, None]], axis=1)
    diff = table_fn(emb_t, w1a, W2.reshape(1, -1), b2.reshape(1, 1))
    ids_t = input_ids.T.astype(jnp.int32)
    gather_fn = _make_gather_mean(vocab, batch, seq)
    return gather_fn(diff, ids_t)

# --- scband reference (transcript-rebuilt; emitter-appended) ---
"""Pipeline reference for scband-nano-router-76794015252799 (READ-ONLY COPY).

The authoritative reference and input builder live on the scoring server;
editing this copy changes nothing except your own understanding.
"""

import jax, jax.numpy as jnp
import numpy as np

VOCAB = 1000000
HID = 64
B = 4096
S = 200

def setup_inputs(seed: int = 0) -> dict:
    key = jax.random.key(seed)
    k_ids, k_emb, k_w1, k_b1, k_w2, k_b2 = jax.random.split(key, 6)
    input_ids = jax.random.randint(k_ids, (B, S), 0, VOCAB, dtype=jnp.int64 if jax.config.jax_enable_x64 else jnp.int32)
    embed_table = jax.random.normal(k_emb, (VOCAB, HID), dtype=jnp.float32) * 0.02
    W1 = jax.random.normal(k_w1, (HID // 2, HID), dtype=jnp.float32) * (1.0 / np.sqrt(HID))
    b1 = jnp.zeros((HID // 2,), dtype=jnp.float32)
    W2 = jax.random.normal(k_w2, (1, HID // 2), dtype=jnp.float32) * (1.0 / np.sqrt(HID // 2))
    b2 = jnp.zeros((1,), dtype=jnp.float32)
    return {"input_ids": input_ids, "embed_table": embed_table, "W1": W1, "b1": b1, "W2": W2, "b2": b2}

def reference(input_ids, embed_table, W1, b1, W2, b2):
    # Embedding lookup: (B, S, HID)
    embeddings = jnp.take(embed_table, input_ids, axis=0)
    # difficulty_head: Linear -> ReLU -> Linear -> Sigmoid
    h = jax.nn.relu(jnp.dot(embeddings, W1.T) + b1)
    token_difficulty = jax.nn.sigmoid(jnp.dot(h, W2.T) + b2)
    token_difficulty = jnp.squeeze(token_difficulty, axis=-1)  # (B, S)
    return jnp.mean(token_difficulty, axis=-1)  # (B,)

if __name__ == "__main__":
    import jax
    _d = setup_inputs()
    print(jax.jit(kernel)(*tuple(_d.values())))

</pallas_src>

<mosaic_0001>
#map = affine_map<(d0, d1) -> (0)>
#map1 = affine_map<(d0, d1) -> (0, 0)>
module attributes {stable_mosaic.version = 14 : i64} {
  func.func @gather_mean(%arg0: i32, %arg1: i32, %arg2: memref<1000000xf32, #tpu.memory_space<hbm>>, %arg3: memref<200x4096xi32, #tpu.memory_space<hbm>>, %arg4: memref<4096xf32, #tpu.memory_space<hbm>>, %arg5: memref<200x128xi32, #tpu.memory_space<vmem>>, %arg6: memref<25600xi32, #tpu.memory_space<vmem>>, %arg7: memref<25600xf32, #tpu.memory_space<vmem>>, %arg8: memref<128xf32, #tpu.memory_space<vmem>>, %arg9: memref<!tpu.dma_semaphore, #tpu.memory_space<semaphore_mem>>) attributes {dimension_semantics = [#tpu.dimension_semantics<core_parallel>, #tpu.dimension_semantics<subcore_parallel>], iteration_bounds = array<i64: 2, 16>, scalar_prefetch = 0 : i64, scratch_operands = 5 : i64, tpu.core_type = #tpu.core_type<sc_vector_subcore>, window_params = [{transform_indices = #map}, {transform_indices = #map1}, {transform_indices = #map}]} {
    %mul3A = arith.constant 2 : i32
    %mul3A_0 = arith.muli %arg1, %mul3A : i32
    %add3A = arith.addi %mul3A_0, %arg0 : i32
    %mul3A_1 = arith.constant 128 : i32
    %mul3A_2 = arith.muli %add3A, %mul3A_1 : i32
    "tpu.region"() ({
      %run_scoped3A = tpu.sem_alloc : memref<!tpu.dma_semaphore, #tpu.memory_space<semaphore_mem>>
      %dma_start3A_17 = arith.constant 0 : i32
      %dma_start3A_18 = tpu.memref_slice %arg3[%dma_start3A_17, %mul3A_2] : memref<200x4096xi32, #tpu.memory_space<hbm>> -> memref<200x128xi32, #tpu.memory_space<hbm>>
      %dma_start3A_19 = arith.constant 0 : i32
      %dma_start3A_20 = tpu.memref_slice %arg3[%dma_start3A_19, %mul3A_2] : memref<200x4096xi32, #tpu.memory_space<hbm>> -> memref<200x128xi32, #tpu.memory_space<hbm>>
      tpu.enqueue_dma source(%dma_start3A_20 : memref<200x128xi32, #tpu.memory_space<hbm>>) target(%arg5 : memref<200x128xi32, #tpu.memory_space<vmem>>) target_semaphore(%run_scoped3A : memref<!tpu.dma_semaphore, #tpu.memory_space<semaphore_mem>>)
      %dma_wait3A_21 = arith.constant 0 : i32
      %dma_wait3A_22 = tpu.memref_slice %arg3[%dma_wait3A_21, %mul3A_2] : memref<200x4096xi32, #tpu.memory_space<hbm>> -> memref<200x128xi32, #tpu.memory_space<hbm>>
      %dma_wait3A_23 = arith.constant 0 : i32
      %dma_wait3A_24 = tpu.memref_slice %arg3[%dma_wait3A_23, %mul3A_2] : memref<200x4096xi32, #tpu.memory_space<hbm>> -> memref<200x128xi32, #tpu.memory_space<hbm>>
      tpu.wait_dma2 semaphore(%run_scoped3A : memref<!tpu.dma_semaphore, #tpu.memory_space<semaphore_mem>>) src(%dma_wait3A_24 : memref<200x128xi32, #tpu.memory_space<hbm>>) dst(%arg5 : memref<200x128xi32, #tpu.memory_space<vmem>>)
      tpu.yield
    }) : () -> ()
    %scan3A = arith.constant 0 : i32
    %scan3A_3 = arith.constant 0 : i32
    %scan3A_4 = arith.constant 200 : i32
    %scan3A_5 = arith.addi %scan3A_3, %scan3A_4 : i32
    %scan3A_6 = arith.constant 1 : i32
    scf.for %scan3A_17 = %scan3A_3 to %scan3A_5 step %scan3A_6  : i32 {
      %mul3A_18 = arith.constant 128 : i32
      %mul3A_19 = arith.muli %scan3A_17, %mul3A_18 : i32
      %multiple_of3A = tpu.assume_multiple %mul3A_19, 8 : i32
      %get3A = arith.index_cast %scan3A_17 : i32 to index
      %get3A_20 = arith.constant 0 : index
      %get3A_21 = tpu.vector_load %arg5[%get3A, %get3A_20] {strides = array<i32>} : memref<200x128xi32, #tpu.memory_space<vmem>>, vector<1x16xi32>,
      %get3A_22 = vector.shape_cast %get3A_21 : vector<1x16xi32> to vector<16xi32>
      %add3A_23 = arith.constant 0 : i32
      %add3A_24 = arith.addi %multiple_of3A, %add3A_23 : i32
      %swap3A = arith.index_cast %add3A_24 : i32 to index
      %swap3A_25 = tpu.vector_load %arg6[%swap3A] {strides = array<i32>} : memref<25600xi32, #tpu.memory_space<vmem>>, vector<16xi32>,
      %swap3A_26 = vector.shape_cast %swap3A_25 : vector<16xi32> to vector<16xi32>
      %swap3A_27 = vector.shape_cast %get3A_22 : vector<16xi32> to vector<16xi32>
      tpu.vector_store %arg6[%swap3A], %swap3A_27 {strides = array<i32>} : memref<25600xi32, #tpu.memory_space<vmem>>, vector<16xi32>,
      %get3A_28 = arith.index_cast %scan3A_17 : i32 to index
      %get3A_29 = arith.constant 16 : index
      %get3A_30 = tpu.vector_load %arg5[%get3A_28, %get3A_29] {strides = array<i32>} : memref<200x128xi32, #tpu.memory_space<vmem>>, vector<1x16xi32>,
      %get3A_31 = vector.shape_cast %get3A_30 : vector<1x16xi32> to vector<16xi32>
      %add3A_32 = arith.constant 16 : i32
      %add3A_33 = arith.addi %multiple_of3A, %add3A_32 : i32
      %swap3A_34 = arith.index_cast %add3A_33 : i32 to index
      %swap3A_35 = tpu.vector_load %arg6[%swap3A_34] {strides = array<i32>} : memref<25600xi32, #tpu.memory_space<vmem>>, vector<16xi32>,
      %swap3A_36 = vector.shape_cast %swap3A_35 : vector<16xi32> to vector<16xi32>
      %swap3A_37 = vector.shape_cast %get3A_31 : vector<16xi32> to vector<16xi32>
      tpu.vector_store %arg6[%swap3A_34], %swap3A_37 {strides = array<i32>} : memref<25600xi32, #tpu.memory_space<vmem>>, vector<16xi32>,
      %get3A_38 = arith.index_cast %scan3A_17 : i32 to index
      %get3A_39 = arith.constant 32 : index
      %get3A_40 = tpu.vector_load %arg5[%get3A_38, %get3A_39] {strides = array<i32>} : memref<200x128xi32, #tpu.memory_space<vmem>>, vector<1x16xi32>,
      %get3A_41 = vector.shape_cast %get3A_40 : vector<1x16xi32> to vector<16xi32>
      %add3A_42 = arith.constant 32 : i32
      %add3A_43 = arith.addi %multiple_of3A, %add3A_42 : i32
      %swap3A_44 = arith.index_cast %add3A_43 : i32 to index
      %swap3A_45 = tpu.vector_load %arg6[%swap3A_44] {strides = array<i32>} : memref<25600xi32, #tpu.memory_space<vmem>>, vector<16xi32>,
      %swap3A_46 = vector.shape_cast %swap3A_45 : vector<16xi32> to vector<16xi32>
      %swap3A_47 = vector.shape_cast %get3A_41 : vector<16xi32> to vector<16xi32>
      tpu.vector_store %arg6[%swap3A_44], %swap3A_47 {strides = array<i32>} : memref<25600xi32, #tpu.memory_space<vmem>>, vector<16xi32>,
      %get3A_48 = arith.index_cast %scan3A_17 : i32 to index
      %get3A_49 = arith.constant 48 : index
      %get3A_50 = tpu.vector_load %arg5[%get3A_48, %get3A_49] {strides = array<i32>} : memref<200x128xi32, #tpu.memory_space<vmem>>, vector<1x16xi32>,
      %get3A_51 = vector.shape_cast %get3A_50 : vector<1x16xi32> to vector<16xi32>
      %add3A_52 = arith.constant 48 : i32
      %add3A_53 = arith.addi %multiple_of3A, %add3A_52 : i32
      %swap3A_54 = arith.index_cast %add3A_53 : i32 to index
      %swap3A_55 = tpu.vector_load %arg6[%swap3A_54] {strides = array<i32>} : memref<25600xi32, #tpu.memory_space<vmem>>, vector<16xi32>,
      %swap3A_56 = vector.shape_cast %swap3A_55 : vector<16xi32> to vector<16xi32>
      %swap3A_57 = vector.shape_cast %get3A_51 : vector<16xi32> to vector<16xi32>
      tpu.vector_store %arg6[%swap3A_54], %swap3A_57 {strides = array<i32>} : memref<25600xi32, #tpu.memory_space<vmem>>, vector<16xi32>,
      %get3A_58 = arith.index_cast %scan3A_17 : i32 to index
      %get3A_59 = arith.constant 64 : index
      %get3A_60 = tpu.vector_load %arg5[%get3A_58, %get3A_59] {strides = array<i32>} : memref<200x128xi32, #tpu.memory_space<vmem>>, vector<1x16xi32>,
      %get3A_61 = vector.shape_cast %get3A_60 : vector<1x16xi32> to vector<16xi32>
      %add3A_62 = arith.constant 64 : i32
      %add3A_63 = arith.addi %multiple_of3A, %add3A_62 : i32
      %swap3A_64 = arith.index_cast %add3A_63 : i32 to index
      %swap3A_65 = tpu.vector_load %arg6[%swap3A_64] {strides = array<i32>} : memref<25600xi32, #tpu.memory_space<vmem>>, vector<16xi32>,
      %swap3A_66 = vector.shape_cast %swap3A_65 : vector<16xi32> to vector<16xi32>
      %swap3A_67 = vector.shape_cast %get3A_61 : vector<16xi32> to vector<16xi32>
      tpu.vector_store %arg6[%swap3A_64], %swap3A_67 {strides = array<i32>} : memref<25600xi32, #tpu.memory_space<vmem>>, vector<16xi32>,
      %get3A_68 = arith.index_cast %scan3A_17 : i32 to index
      %get3A_69 = arith.constant 80 : index
      %get3A_70 = tpu.vector_load %arg5[%get3A_68, %get3A_69] {strides = array<i32>} : memref<200x128xi32, #tpu.memory_space<vmem>>, vector<1x16xi32>,
      %get3A_71 = vector.shape_cast %get3A_70 : vector<1x16xi32> to vector<16xi32>
      %add3A_72 = arith.constant 80 : i32
      %add3A_73 = arith.addi %multiple_of3A, %add3A_72 : i32
      %swap3A_74 = arith.index_cast %add3A_73 : i32 to index
      %swap3A_75 = tpu.vector_load %arg6[%swap3A_74] {strides = array<i32>} : memref<25600xi32, #tpu.memory_space<vmem>>, vector<16xi32>,
      %swap3A_76 = vector.shape_cast %swap3A_75 : vector<16xi32> to vector<16xi32>
      %swap3A_77 = vector.shape_cast %get3A_71 : vector<16xi32> to vector<16xi32>
      tpu.vector_store %arg6[%swap3A_74], %swap3A_77 {strides = array<i32>} : memref<25600xi32, #tpu.memory_space<vmem>>, vector<16xi32>,
      %get3A_78 = arith.index_cast %scan3A_17 : i32 to index
      %get3A_79 = arith.constant 96 : index
      %get3A_80 = tpu.vector_load %arg5[%get3A_78, %get3A_79] {strides = array<i32>} : memref<200x128xi32, #tpu.memory_space<vmem>>, vector<1x16xi32>,
      %get3A_81 = vector.shape_cast %get3A_80 : vector<1x16xi32> to vector<16xi32>
      %add3A_82 = arith.constant 96 : i32
      %add3A_83 = arith.addi %multiple_of3A, %add3A_82 : i32
      %swap3A_84 = arith.index_cast %add3A_83 : i32 to index
      %swap3A_85 = tpu.vector_load %arg6[%swap3A_84] {strides = array<i32>} : memref<25600xi32, #tpu.memory_space<vmem>>, vector<16xi32>,
      %swap3A_86 = vector.shape_cast %swap3A_85 : vector<16xi32> to vector<16xi32>
      %swap3A_87 = vector.shape_cast %get3A_81 : vector<16xi32> to vector<16xi32>
      tpu.vector_store %arg6[%swap3A_84], %swap3A_87 {strides = array<i32>} : memref<25600xi32, #tpu.memory_space<vmem>>, vector<16xi32>,
      %get3A_88 = arith.index_cast %scan3A_17 : i32 to index
      %get3A_89 = arith.constant 112 : index
      %get3A_90 = tpu.vector_load %arg5[%get3A_88, %get3A_89] {strides = array<i32>} : memref<200x128xi32, #tpu.memory_space<vmem>>, vector<1x16xi32>,
      %get3A_91 = vector.shape_cast %get3A_90 : vector<1x16xi32> to vector<16xi32>
      %add3A_92 = arith.constant 112 : i32
      %add3A_93 = arith.addi %multiple_of3A, %add3A_92 : i32
      %swap3A_94 = arith.index_cast %add3A_93 : i32 to index
      %swap3A_95 = tpu.vector_load %arg6[%swap3A_94] {strides = array<i32>} : memref<25600xi32, #tpu.memory_space<vmem>>, vector<16xi32>,
      %swap3A_96 = vector.shape_cast %swap3A_95 : vector<16xi32> to vector<16xi32>
      %swap3A_97 = vector.shape_cast %get3A_91 : vector<16xi32> to vector<16xi32>
      tpu.vector_store %arg6[%swap3A_94], %swap3A_97 {strides = array<i32>} : memref<25600xi32, #tpu.memory_space<vmem>>, vector<16xi32>,
    }
    %scan3A_7 = arith.constant 200 : i32
    %dma_start3A = arith.constant 0 : i32
    %dma_start3A_8 = tpu.memref_slice %arg2[%dma_start3A] : memref<1000000xf32, #tpu.memory_space<hbm>> -> memref<1000000xf32, #tpu.memory_space<hbm>>
    tpu.enqueue_indirect_dma source(%dma_start3A_8 : memref<1000000xf32, #tpu.memory_space<hbm>>) target(%arg7 : memref<25600xf32, #tpu.memory_space<vmem>>) offsets(%arg6 : memref<25600xi32, #tpu.memory_space<vmem>>) semaphore(%arg9 : memref<!tpu.dma_semaphore, #tpu.memory_space<semaphore_mem>>)
    %dma_wait3A = arith.constant 0 : i32
    %dma_wait3A_9 = tpu.memref_slice %arg2[%dma_wait3A] : memref<1000000xf32, #tpu.memory_space<hbm>> -> memref<1000000xf32, #tpu.memory_space<hbm>>
    tpu.wait_indirect_dma semaphore(%arg9 : memref<!tpu.dma_semaphore, #tpu.memory_space<semaphore_mem>>) src(%dma_wait3A_9 : memref<1000000xf32, #tpu.memory_space<hbm>>) dst(%arg7 : memref<25600xf32, #tpu.memory_space<vmem>>)
    %scan3A_10 = arith.constant 0 : i32
    %scan3A_11 = arith.constant 5.000000e-03 : f32
    %scan3A_12 = arith.constant 0 : i32
    %scan3A_13 = arith.constant 8 : i32
    %scan3A_14 = arith.addi %scan3A_12, %scan3A_13 : i32
    %scan3A_15 = arith.constant 1 : i32
    scf.for %scan3A_17 = %scan3A_12 to %scan3A_14 step %scan3A_15  : i32 {
      %mul3A_18 = arith.constant 16 : i32
      %mul3A_19 = arith.muli %scan3A_17, %mul3A_18 : i32
      %multiple_of3A = tpu.assume_multiple %mul3A_19, 8 : i32
      %get3A = arith.index_cast %multiple_of3A : i32 to index
      %get3A_20 = tpu.vector_load %arg7[%get3A] {strides = array<i32>} : memref<25600xf32, #tpu.memory_space<vmem>>, vector<16xf32>,
      %get3A_21 = vector.shape_cast %get3A_20 : vector<16xf32> to vector<16xf32>
      %add3A_22 = arith.constant 128 : i32
      %add3A_23 = arith.addi %add3A_22, %multiple_of3A : i32
      %get3A_24 = arith.index_cast %add3A_23 : i32 to index
      %get3A_25 = tpu.vector_load %arg7[%get3A_24] {strides = array<i32>} : memref<25600xf32, #tpu.memory_space<vmem>>, vector<16xf32>,
      %get3A_26 = vector.shape_cast %get3A_25 : vector<16xf32> to vector<16xf32>
      %add3A_27 = arith.addf %get3A_21, %get3A_26 : vector<16xf32>
      %add3A_28 = arith.constant 256 : i32
      %add3A_29 = arith.addi %add3A_28, %multiple_of3A : i32
      %get3A_30 = arith.index_cast %add3A_29 : i32 to index
      %get3A_31 = tpu.vector_load %arg7[%get3A_30] {strides = array<i32>} : memref<25600xf32, #tpu.memory_space<vmem>>, vector<16xf32>,
      %get3A_32 = vector.shape_cast %get3A_31 : vector<16xf32> to vector<16xf32>
      %add3A_33 = arith.addf %add3A_27, %get3A_32 : vector<16xf32>
      %add3A_34 = arith.constant 384 : i32
      %add3A_35 = arith.addi %add3A_34, %multiple_of3A : i32
      %get3A_36 = arith.index_cast %add3A_35 : i32 to index
      %get3A_37 = tpu.vector_load %arg7[%get3A_36] {strides = array<i32>} : memref<25600xf32, #tpu.memory_space<vmem>>, vector<16xf32>,
      %get3A_38 = vector.shape_cast %get3A_37 : vector<16xf32> to vector<16xf32>
      %add3A_39 = arith.addf %add3A_33, %get3A_38 : vector<16xf32>
      %add3A_40 = arith.constant 512 : i32
      %add3A_41 = arith.addi %add3A_40, %multiple_of3A : i32
      %get3A_42 = arith.index_cast %add3A_41 : i32 to index
      %get3A_43 = tpu.vector_load %arg7[%get3A_42] {strides = array<i32>} : memref<25600xf32, #tpu.memory_space<vmem>>, vector<16xf32>,
      %get3A_44 = vector.shape_cast %get3A_43 : vector<16xf32> to vector<16xf32>
      %add3A_45 = arith.addf %add3A_39, %get3A_44 : vector<16xf32>
      %add3A_46 = arith.constant 640 : i32
      %add3A_47 = arith.addi %add3A_46, %multiple_of3A : i32
      %get3A_48 = arith.index_cast %add3A_47 : i32 to index
      %get3A_49 = tpu.vector_load %arg7[%get3A_48] {strides = array<i32>} : memref<25600xf32, #tpu.memory_space<vmem>>, vector<16xf32>,
      %get3A_50 = vector.shape_cast %get3A_49 : vector<16xf32> to vector<16xf32>
      %add3A_51 = arith.addf %add3A_45, %get3A_50 : vector<16xf32>
      %add3A_52 = arith.constant 768 : i32
      %add3A_53 = arith.addi %add3A_52, %multiple_of3A : i32
      %get3A_54 = arith.index_cast %add3A_53 : i32 to index
      %get3A_55 = tpu.vector_load %arg7[%get3A_54] {strides = array<i32>} : memref<25600xf32, #tpu.memory_space<vmem>>, vector<16xf32>,
      %get3A_56 = vector.shape_cast %get3A_55 : vector<16xf32> to vector<16xf32>
      %add3A_57 = arith.addf %add3A_51, %get3A_56 : vector<16xf32>
      %add3A_58 = arith.constant 896 : i32
      %add3A_59 = arith.addi %add3A_58, %multiple_of3A : i32
      %get3A_60 = arith.index_cast %add3A_59 : i32 to index
      %get3A_61 = tpu.vector_load %arg7[%get3A_60] {strides = array<i32>} : memref<25600xf32, #tpu.memory_space<vmem>>, vector<16xf32>,
      %get3A_62 = vector.shape_cast %get3A_61 : vector<16xf32> to vector<16xf32>
      %add3A_63 = arith.addf %add3A_57, %get3A_62 : vector<16xf32>
      %add3A_64 = arith.constant 1024 : i32
      %add3A_65 = arith.addi %add3A_64, %multiple_of3A : i32
      %get3A_66 = arith.index_cast %add3A_65 : i32 to index
      %get3A_67 = tpu.vector_load %arg7[%get3A_66] {strides = array<i32>} : memref<25600xf32, #tpu.memory_space<vmem>>, vector<16xf32>,
      %get3A_68 = vector.shape_cast %get3A_67 : vector<16xf32> to vector<16xf32>
      %add3A_69 = arith.addf %add3A_63, %get3A_68 : vector<16xf32>
      %add3A_70 = arith.constant 1152 : i32
      %add3A_71 = arith.addi %add3A_70, %multiple_of3A : i32
      %get3A_72 = arith.index_cast %add3A_71 : i32 to index
      %get3A_73 = tpu.vector_load %arg7[%get3A_72] {strides = array<i32>} : memref<25600xf32, #tpu.memory_space<vmem>>, vector<16xf32>,
      %get3A_74 = vector.shape_cast %get3A_73 : vector<16xf32> to vector<16xf32>
      %add3A_75 = arith.addf %add3A_69, %get3A_74 : vector<16xf32>
      %add3A_76 = arith.constant 1280 : i32
      %add3A_77 = arith.addi %add3A_76, %multiple_of3A : i32
      %get3A_78 = arith.index_cast %add3A_77 : i32 to index
      %get3A_79 = tpu.vector_load %arg7[%get3A_78] {strides = array<i32>} : memref<25600xf32, #tpu.memory_space<vmem>>, vector<16xf32>,
      %get3A_80 = vector.shape_cast %get3A_79 : vector<16xf32> to vector<16xf32>
      %add3A_81 = arith.addf %add3A_75, %get3A_80 : vector<16xf32>
      %add3A_82 = arith.constant 1408 : i32
      %add3A_83 = arith.addi %add3A_82, %multiple_of3A : i32
      %get3A_84 = arith.index_cast %add3A_83 : i32 to index
      %get3A_85 = tpu.vector_load %arg7[%get3A_84] {strides = array<i32>} : memref<25600xf32, #tpu.memory_space<vmem>>, vector<16xf32>,
      %get3A_86 = vector.shape_cast %get3A_85 : vector<16xf32> to vector<16xf32>
      %add3A_87 = arith.addf %add3A_81, %get3A_86 : vector<16xf32>
      %add3A_88 = arith.constant 1536 : i32
      %add3A_89 = arith.addi %add3A_88, %multiple_of3A : i32
      %get3A_90 = arith.index_cast %add3A_89 : i32 to index
      %get3A_91 = tpu.vector_load %arg7[%get3A_90] {strides = array<i32>} : memref<25600xf32, #tpu.memory_space<vmem>>, vector<16xf32>,
      %get3A_92 = vector.shape_cast %get3A_91 : vector<16xf32> to vector<16xf32>
      %add3A_93 = arith.addf %add3A_87, %get3A_92 : vector<16xf32>
      %add3A_94 = arith.constant 1664 : i32
      %add3A_95 = arith.addi %add3A_94, %multiple_of3A : i32
      %get3A_96 = arith.index_cast %add3A_95 : i32 to index
      %get3A_97 = tpu.vector_load %arg7[%get3A_96] {strides = array<i32>} : memref<25600xf32, #tpu.memory_space<vmem>>, vector<16xf32>,
      %get3A_98 = vector.shape_cast %get3A_97 : vector<16xf32> to vector<16xf32>
      %add3A_99 = arith.addf %add3A_93, %get3A_98 : vector<16xf32>
      %add3A_100 = arith.constant 1792 : i32
      %add3A_101 = arith.addi %add3A_100, %multiple_of3A : i32
      %get3A_102 = arith.index_cast %add3A_101 : i32 to index
      %get3A_103 = tpu.vector_load %arg7[%get3A_102] {strides = array<i32>} : memref<25600xf32, #tpu.memory_space<vmem>>, vector<16xf32>,
      %get3A_104 = vector.shape_cast %get3A_103 : vector<16xf32> to vector<16xf32>
      %add3A_105 = arith.addf %add3A_99, %get3A_104 : vector<16xf32>
      %add3A_106 = arith.constant 1920 : i32
      %add3A_107 = arith.addi %add3A_106, %multiple_of3A : i32
      %get3A_108 = arith.index_cast %add3A_107 : i32 to index
      %get3A_109 = tpu.vector_load %arg7[%get3A_108] {strides = array<i32>} : memref<25600xf32, #tpu.memory_space<vmem>>, vector<16xf32>,
      %get3A_110 = vector.shape_cast %get3A_109 : vector<16xf32> to vector<16xf32>
      %add3A_111 = arith.addf %add3A_105, %get3A_110 : vector<16xf32>
      %add3A_112 = arith.constant 2048 : i32
      %add3A_113 = arith.addi %add3A_112, %multiple_of3A : i32
      %get3A_114 = arith.index_cast %add3A_113 : i32 to index
      %get3A_115 = tpu.vector_load %arg7[%get3A_114] {strides = array<i32>} : memref<25600xf32, #tpu.memory_space<vmem>>, vector<16xf32>,
      %get3A_116 = vector.shape_cast %get3A_115 : vector<16xf32> to vector<16xf32>
      %add3A_117 = arith.addf %add3A_111, %get3A_116 : vector<16xf32>
      %add3A_118 = arith.constant 2176 : i32
      %add3A_119 = arith.addi %add3A_118, %multiple_of3A : i32
      %get3A_120 = arith.index_cast %add3A_119 : i32 to index
      %get3A_121 = tpu.vector_load %arg7[%get3A_120] {strides = array<i32>} : memref<25600xf32, #tpu.memory_space<vmem>>, vector<16xf32>,
      %get3A_122 = vector.shape_cast %get3A_121 : vector<16xf32> to vector<16xf32>
      %add3A_123 = arith.addf %add3A_117, %get3A_122 : vector<16xf32>
      %add3A_124 = arith.constant 2304 : i32
      %add3A_125 = arith.addi %add3A_124, %multiple_of3A : i32
      %get3A_126 = arith.index_cast %add3A_125 : i32 to index
      %get3A_127 = tpu.vector_load %arg7[%get3A_126] {strides = array<i32>} : memref<25600xf32, #tpu.memory_space<vmem>>, vector<16xf32>,
      %get3A_128 = vector.shape_cast %get3A_127 : vector<16xf32> to vector<16xf32>
      %add3A_129 = arith.addf %add3A_123, %get3A_128 : vector<16xf32>
      %add3A_130 = arith.constant 2432 : i32
      %add3A_131 = arith.addi %add3A_130, %multiple_of3A : i32
      %get3A_132 = arith.index_cast %add3A_131 : i32 to index
      %get3A_133 = tpu.vector_load %arg7[%get3A_132] {strides = array<i32>} : memref<25600xf32, #tpu.memory_space<vmem>>, vector<16xf32>,
      %get3A_134 = vector.shape_cast %get3A_133 : vector<16xf32> to vector<16xf32>
      %add3A_135 = arith.addf %add3A_129, %get3A_134 : vector<16xf32>
      %add3A_136 = arith.constant 2560 : i32
      %add3A_137 = arith.addi %add3A_136, %multiple_of3A : i32
      %get3A_138 = arith.index_cast %add3A_137 : i32 to index
      %get3A_139 = tpu.vector_load %arg7[%get3A_138] {strides = array<i32>} : memref<25600xf32, #tpu.memory_space<vmem>>, vector<16xf32>,
      %get3A_140 = vector.shape_cast %get3A_139 : vector<16xf32> to vector<16xf32>
      %add3A_141 = arith.addf %add3A_135, %get3A_140 : vector<16xf32>
      %add3A_142 = arith.constant 2688 : i32
      %add3A_143 = arith.addi %add3A_142, %multiple_of3A : i32
      %get3A_144 = arith.index_cast %add3A_143 : i32 to index
      %get3A_145 = tpu.vector_load %arg7[%get3A_144] {strides = array<i32>} : memref<25600xf32, #tpu.memory_space<vmem>>, vector<16xf32>,
      %get3A_146 = vector.shape_cast %get3A_145 : vector<16xf32> to vector<16xf32>
      %add3A_147 = arith.addf %add3A_141, %get3A_146 : vector<16xf32>
      %add3A_148 = arith.constant 2816 : i32
      %add3A_149 = arith.addi %add3A_148, %multiple_of3A : i32
      %get3A_150 = arith.index_cast %add3A_149 : i32 to index
      %get3A_151 = tpu.vector_load %arg7[%get3A_150] {strides = array<i32>} : memref<25600xf32, #tpu.memory_space<vmem>>, vector<16xf32>,
      %get3A_152 = vector.shape_cast %get3A_151 : vector<16xf32> to vector<16xf32>
      %add3A_153 = arith.addf %add3A_147, %get3A_152 : vector<16xf32>
      %add3A_154 = arith.constant 2944 : i32
      %add3A_155 = arith.addi %add3A_154, %multiple_of3A : i32
      %get3A_156 = arith.index_cast %add3A_155 : i32 to index
      %get3A_157 = tpu.vector_load %arg7[%get3A_156] {strides = array<i32>} : memref<25600xf32, #tpu.memory_space<vmem>>, vector<16xf32>,
      %get3A_158 = vector.shape_cast %get3A_157 : vector<16xf32> to vector<16xf32>
      %add3A_159 = arith.addf %add3A_153, %get3A_158 : vector<16xf32>
      %add3A_160 = arith.constant 3072 : i32
      %add3A_161 = arith.addi %add3A_160, %multiple_of3A : i32
      %get3A_162 = arith.index_cast %add3A_161 : i32 to index
      %get3A_163 = tpu.vector_load %arg7[%get3A_162] {strides = array<i32>} : memref<25600xf32, #tpu.memory_space<vmem>>, vector<16xf32>,
      %get3A_164 = vector.shape_cast %get3A_163 : vector<16xf32> to vector<16xf32>
      %add3A_165 = arith.addf %add3A_159, %get3A_164 : vector<16xf32>
      %add3A_166 = arith.constant 3200 : i32
      %add3A_167 = arith.addi %add3A_166, %multiple_of3A : i32
      %get3A_168 = arith.index_cast %add3A_167 : i32 to index
      %get3A_169 = tpu.vector_load %arg7[%get3A_168] {strides = array<i32>} : memref<25600xf32, #tpu.memory_space<vmem>>, vector<16xf32>,
      %get3A_170 = vector.shape_cast %get3A_169 : vector<16xf32> to vector<16xf32>
      %add3A_171 = arith.addf %add3A_165, %get3A_170 : vector<16xf32>
      %add3A_172 = arith.constant 3328 : i32
      %add3A_173 = arith.addi %add3A_172, %multiple_of3A : i32
      %get3A_174 = arith.index_cast %add3A_173 : i32 to index
      %get3A_175 = tpu.vector_load %arg7[%get3A_174] {strides = array<i32>} : memref<25600xf32, #tpu.memory_space<vmem>>, vector<16xf32>,
      %get3A_176 = vector.shape_cast %get3A_175 : vector<16xf32> to vector<16xf32>
      %add3A_177 = arith.addf %add3A_171, %get3A_176 : vector<16xf32>
      %add3A_178 = arith.constant 3456 : i32
      %add3A_179 = arith.addi %add3A_178, %multiple_of3A : i32
      %get3A_180 = arith.index_cast %add3A_179 : i32 to index
      %get3A_181 = tpu.vector_load %arg7[%get3A_180] {strides = array<i32>} : memref<25600xf32, #tpu.memory_space<vmem>>, vector<16xf32>,
      %get3A_182 = vector.shape_cast %get3A_181 : vector<16xf32> to vector<16xf32>
      %add3A_183 = arith.addf %add3A_177, %get3A_182 : vector<16xf32>
      %add3A_184 = arith.constant 3584 : i32
      %add3A_185 = arith.addi %add3A_184, %multiple_of3A : i32
      %get3A_186 = arith.index_cast %add3A_185 : i32 to index
      %get3A_187 = tpu.vector_load %arg7[%get3A_186] {strides = array<i32>} : memref<25600xf32, #tpu.memory_space<vmem>>, vector<16xf32>,
      %get3A_188 = vector.shape_cast %get3A_187 : vector<16xf32> to vector<16xf32>
      %add3A_189 = arith.addf %add3A_183, %get3A_188 : vector<16xf32>
      %add3A_190 = arith.constant 3712 : i32
      %add3A_191 = arith.addi %add3A_190, %multiple_of3A : i32
      %get3A_192 = arith.index_cast %add3A_191 : i32 to index
      %get3A_193 = tpu.vector_load %arg7[%get3A_192] {strides = array<i32>} : memref<25600xf32, #tpu.memory_space<vmem>>, vector<16xf32>,
      %get3A_194 = vector.shape_cast %get3A_193 : vector<16xf32> to vector<16xf32>
      %add3A_195 = arith.addf %add3A_189, %get3A_194 : vector<16xf32>
      %add3A_196 = arith.constant 3840 : i32
      %add3A_197 = arith.addi %add3A_196, %multiple_of3A : i32
      %get3A_198 = arith.index_cast %add3A_197 : i32 to index
      %get3A_199 = tpu.vector_load %arg7[%get3A_198] {strides = array<i32>} : memref<25600xf32, #tpu.memory_space<vmem>>, vector<16xf32>,
      %get3A_200 = vector.shape_cast %get3A_199 : vector<16xf32> to vector<16xf32>
      %add3A_201 = arith.addf %add3A_195, %get3A_200 : vector<16xf32>
      %add3A_202 = arith.constant 3968 : i32
      %add3A_203 = arith.addi %add3A_202, %multiple_of3A : i32
      %get3A_204 = arith.index_cast %add3A_203 : i32 to index
      %get3A_205 = tpu.vector_load %arg7[%get3A_204] {strides = array<i32>} : memref<25600xf32, #tpu.memory_space<vmem>>, vector<16xf32>,
      %get3A_206 = vector.shape_cast %get3A_205 : vector<16xf32> to vector<16xf32>
      %add3A_207 = arith.addf %add3A_201, %get3A_206 : vector<16xf32>
      %add3A_208 = arith.constant 4096 : i32
      %add3A_209 = arith.addi %add3A_208, %multiple_of3A : i32
      %get3A_210 = arith.index_cast %add3A_209 : i32 to index
      %get3A_211 = tpu.vector_load %arg7[%get3A_210] {strides = array<i32>} : memref<25600xf32, #tpu.memory_space<vmem>>, vector<16xf32>,
      %get3A_212 = vector.shape_cast %get3A_211 : vector<16xf32> to vector<16xf32>
      %add3A_213 = arith.addf %add3A_207, %get3A_212 : vector<16xf32>
      %add3A_214 = arith.constant 4224 : i32
      %add3A_215 = arith.addi %add3A_214, %multiple_of3A : i32
      %get3A_216 = arith.index_cast %add3A_215 : i32 to index
      %get3A_217 = tpu.vector_load %arg7[%get3A_216] {strides = array<i32>} : memref<25600xf32, #tpu.memory_space<vmem>>, vector<16xf32>,
      %get3A_218 = vector.shape_cast %get3A_217 : vector<16xf32> to vector<16xf32>
      %add3A_219 = arith.addf %add3A_213, %get3A_218 : vector<16xf32>
      %add3A_220 = arith.constant 4352 : i32
      %add3A_221 = arith.addi %add3A_220, %multiple_of3A : i32
      %get3A_222 = arith.index_cast %add3A_221 : i32 to index
      %get3A_223 = tpu.vector_load %arg7[%get3A_222] {strides = array<i32>} : memref<25600xf32, #tpu.memory_space<vmem>>, vector<16xf32>,
      %get3A_224 = vector.shape_cast %get3A_223 : vector<16xf32> to vector<16xf32>
      %add3A_225 = arith.addf %add3A_219, %get3A_224 : vector<16xf32>
      %add3A_226 = arith.constant 4480 : i32
      %add3A_227 = arith.addi %add3A_226, %multiple_of3A : i32
      %get3A_228 = arith.index_cast %add3A_227 : i32 to index
      %get3A_229 = tpu.vector_load %arg7[%get3A_228] {strides = array<i32>} : memref<25600xf32, #tpu.memory_space<vmem>>, vector<16xf32>,
      %get3A_230 = vector.shape_cast %get3A_229 : vector<16xf32> to vector<16xf32>
      %add3A_231 = arith.addf %add3A_225, %get3A_230 : vector<16xf32>
      %add3A_232 = arith.constant 4608 : i32
      %add3A_233 = arith.addi %add3A_232, %multiple_of3A : i32
      %get3A_234 = arith.index_cast %add3A_233 : i32 to index
      %get3A_235 = tpu.vector_load %arg7[%get3A_234] {strides = array<i32>} : memref<25600xf32, #tpu.memory_space<vmem>>, vector<16xf32>,
      %get3A_236 = vector.shape_cast %get3A_235 : vector<16xf32> to vector<16xf32>
      %add3A_237 = arith.addf %add3A_231, %get3A_236 : vector<16xf32>
      %add3A_238 = arith.constant 4736 : i32
      %add3A_239 = arith.addi %add3A_238, %multiple_of3A : i32
      %get3A_240 = arith.index_cast %add3A_239 : i32 to index
      %get3A_241 = tpu.vector_load %arg7[%get3A_240] {strides = array<i32>} : memref<25600xf32, #tpu.memory_space<vmem>>, vector<16xf32>,
      %get3A_242 = vector.shape_cast %get3A_241 : vector<16xf32> to vector<16xf32>
      %add3A_243 = arith.addf %add3A_237, %get3A_242 : vector<16xf32>
      %add3A_244 = arith.constant 4864 : i32
      %add3A_245 = arith.addi %add3A_244, %multiple_of3A : i32
      %get3A_246 = arith.index_cast %add3A_245 : i32 to index
      %get3A_247 = tpu.vector_load %arg7[%get3A_246] {strides = array<i32>} : memref<25600xf32, #tpu.memory_space<vmem>>, vector<16xf32>,
      %get3A_248 = vector.shape_cast %get3A_247 : vector<16xf32> to vector<16xf32>
      %add3A_249 = arith.addf %add3A_243, %get3A_248 : vector<16xf32>
      %add3A_250 = arith.constant 4992 : i32
      %add3A_251 = arith.addi %add3A_250, %multiple_of3A : i32
      %get3A_252 = arith.index_cast %add3A_251 : i32 to index
      %get3A_253 = tpu.vector_load %arg7[%get3A_252] {strides = array<i32>} : memref<25600xf32, #tpu.memory_space<vmem>>, vector<16xf32>,
      %get3A_254 = vector.shape_cast %get3A_253 : vector<16xf32> to vector<16xf32>
      %add3A_255 = arith.addf %add3A_249, %get3A_254 : vector<16xf32>
      %add3A_256 = arith.constant 5120 : i32
      %add3A_257 = arith.addi %add3A_256, %multiple_of3A : i32
      %get3A_258 = arith.index_cast %add3A_257 : i32 to index
      %get3A_259 = tpu.vector_load %arg7[%get3A_258] {strides = array<i32>} : memref<25600xf32, #tpu.memory_space<vmem>>, vector<16xf32>,
      %get3A_260 = vector.shape_cast %get3A_259 : vector<16xf32> to vector<16xf32>
      %add3A_261 = arith.addf %add3A_255, %get3A_260 : vector<16xf32>
      %add3A_262 = arith.constant 5248 : i32
      %add3A_263 = arith.addi %add3A_262, %multiple_of3A : i32
      %get3A_264 = arith.index_cast %add3A_263 : i32 to index
      %get3A_265 = tpu.vector_load %arg7[%get3A_264] {strides = array<i32>} : memref<25600xf32, #tpu.memory_space<vmem>>, vector<16xf32>,
      %get3A_266 = vector.shape_cast %get3A_265 : vector<16xf32> to vector<16xf32>
      %add3A_267 = arith.addf %add3A_261, %get3A_266 : vector<16xf32>
      %add3A_268 = arith.constant 5376 : i32
      %add3A_269 = arith.addi %add3A_268, %multiple_of3A : i32
      %get3A_270 = arith.index_cast %add3A_269 : i32 to index
      %get3A_271 = tpu.vector_load %arg7[%get3A_270] {strides = array<i32>} : memref<25600xf32, #tpu.memory_space<vmem>>, vector<16xf32>,
      %get3A_272 = vector.shape_cast %get3A_271 : vector<16xf32> to vector<16xf32>
      %add3A_273 = arith.addf %add3A_267, %get3A_272 : vector<16xf32>
      %add3A_274 = arith.constant 5504 : i32
      %add3A_275 = arith.addi %add3A_274, %multiple_of3A : i32
      %get3A_276 = arith.index_cast %add3A_275 : i32 to index
      %get3A_277 = tpu.vector_load %arg7[%get3A_276] {strides = array<i32>} : memref<25600xf32, #tpu.memory_space<vmem>>, vector<16xf32>,
      %get3A_278 = vector.shape_cast %get3A_277 : vector<16xf32> to vector<16xf32>
      %add3A_279 = arith.addf %add3A_273, %get3A_278 : vector<16xf32>
      %add3A_280 = arith.constant 5632 : i32
      %add3A_281 = arith.addi %add3A_280, %multiple_of3A : i32
      %get3A_282 = arith.index_cast %add3A_281 : i32 to index
      %get3A_283 = tpu.vector_load %arg7[%get3A_282] {strides = array<i32>} : memref<25600xf32, #tpu.memory_space<vmem>>, vector<16xf32>,
      %get3A_284 = vector.shape_cast %get3A_283 : vector<16xf32> to vector<16xf32>
      %add3A_285 = arith.addf %add3A_279, %get3A_284 : vector<16xf32>
      %add3A_286 = arith.constant 5760 : i32
      %add3A_287 = arith.addi %add3A_286, %multiple_of3A : i32
      %get3A_288 = arith.index_cast %add3A_287 : i32 to index
      %get3A_289 = tpu.vector_load %arg7[%get3A_288] {strides = array<i32>} : memref<25600xf32, #tpu.memory_space<vmem>>, vector<16xf32>,
      %get3A_290 = vector.shape_cast %get3A_289 : vector<16xf32> to vector<16xf32>
      %add3A_291 = arith.addf %add3A_285, %get3A_290 : vector<16xf32>
      %add3A_292 = arith.constant 5888 : i32
      %add3A_293 = arith.addi %add3A_292, %multiple_of3A : i32
      %get3A_294 = arith.index_cast %add3A_293 : i32 to index
      %get3A_295 = tpu.vector_load %arg7[%get3A_294] {strides = array<i32>} : memref<25600xf32, #tpu.memory_space<vmem>>, vector<16xf32>,
      %get3A_296 = vector.shape_cast %get3A_295 : vector<16xf32> to vector<16xf32>
      %add3A_297 = arith.addf %add3A_291, %get3A_296 : vector<16xf32>
      %add3A_298 = arith.constant 6016 : i32
      %add3A_299 = arith.addi %add3A_298, %multiple_of3A : i32
      %get3A_300 = arith.index_cast %add3A_299 : i32 to index
      %get3A_301 = tpu.vector_load %arg7[%get3A_300] {strides = array<i32>} : memref<25600xf32, #tpu.memory_space<vmem>>, vector<16xf32>,
      %get3A_302 = vector.shape_cast %get3A_301 : vector<16xf32> to vector<16xf32>
      %add3A_303 = arith.addf %add3A_297, %get3A_302 : vector<16xf32>
      %add3A_304 = arith.constant 6144 : i32
      %add3A_305 = arith.addi %add3A_304, %multiple_of3A : i32
      %get3A_306 = arith.index_cast %add3A_305 : i32 to index
      %get3A_307 = tpu.vector_load %arg7[%get3A_306] {strides = array<i32>} : memref<25600xf32, #tpu.memory_space<vmem>>, vector<16xf32>,
      %get3A_308 = vector.shape_cast %get3A_307 : vector<16xf32> to vector<16xf32>
      %add3A_309 = arith.addf %add3A_303, %get3A_308 : vector<16xf32>
      %add3A_310 = arith.constant 6272 : i32
      %add3A_311 = arith.addi %add3A_310, %multiple_of3A : i32
      %get3A_312 = arith.index_cast %add3A_311 : i32 to index
      %get3A_313 = tpu.vector_load %arg7[%get3A_312] {strides = array<i32>} : memref<25600xf32, #tpu.memory_space<vmem>>, vector<16xf32>,
      %get3A_314 = vector.shape_cast %get3A_313 : vector<16xf32> to vector<16xf32>
      %add3A_315 = arith.addf %add3A_309, %get3A_314 : vector<16xf32>
      %add3A_316 = arith.constant 6400 : i32
      %add3A_317 = arith.addi %add3A_316, %multiple_of3A : i32
      %get3A_318 = arith.index_cast %add3A_317 : i32 to index
      %get3A_319 = tpu.vector_load %arg7[%get3A_318] {strides = array<i32>} : memref<25600xf32, #tpu.memory_space<vmem>>, vector<16xf32>,
      %get3A_320 = vector.shape_cast %get3A_319 : vector<16xf32> to vector<16xf32>
      %add3A_321 = arith.addf %add3A_315, %get3A_320 : vector<16xf32>
      %add3A_322 = arith.constant 6528 : i32
      %add3A_323 = arith.addi %add3A_322, %multiple_of3A : i32
      %get3A_324 = arith.index_cast %add3A_323 : i32 to index
      %get3A_325 = tpu.vector_load %arg7[%get3A_324] {strides = array<i32>} : memref<25600xf32, #tpu.memory_space<vmem>>, vector<16xf32>,
      %get3A_326 = vector.shape_cast %get3A_325 : vector<16xf32> to vector<16xf32>
      %add3A_327 = arith.addf %add3A_321, %get3A_326 : vector<16xf32>
      %add3A_328 = arith.constant 6656 : i32
      %add3A_329 = arith.addi %add3A_328, %multiple_of3A : i32
      %get3A_330 = arith.index_cast %add3A_329 : i32 to index
      %get3A_331 = tpu.vector_load %arg7[%get3A_330] {strides = array<i32>} : memref<25600xf32, #tpu.memory_space<vmem>>, vector<16xf32>,
      %get3A_332 = vector.shape_cast %get3A_331 : vector<16xf32> to vector<16xf32>
      %add3A_333 = arith.addf %add3A_327, %get3A_332 : vector<16xf32>
      %add3A_334 = arith.constant 6784 : i32
      %add3A_335 = arith.addi %add3A_334, %multiple_of3A : i32
      %get3A_336 = arith.index_cast %add3A_335 : i32 to index
      %get3A_337 = tpu.vector_load %arg7[%get3A_336] {strides = array<i32>} : memref<25600xf32, #tpu.memory_space<vmem>>, vector<16xf32>,
      %get3A_338 = vector.shape_cast %get3A_337 : vector<16xf32> to vector<16xf32>
      %add3A_339 = arith.addf %add3A_333, %get3A_338 : vector<16xf32>
      %add3A_340 = arith.constant 6912 : i32
      %add3A_341 = arith.addi %add3A_340, %multiple_of3A : i32
      %get3A_342 = arith.index_cast %add3A_341 : i32 to index
      %get3A_343 = tpu.vector_load %arg7[%get3A_342] {strides = array<i32>} : memref<25600xf32, #tpu.memory_space<vmem>>, vector<16xf32>,
      %get3A_344 = vector.shape_cast %get3A_343 : vector<16xf32> to vector<16xf32>
      %add3A_345 = arith.addf %add3A_339, %get3A_344 : vector<16xf32>
      %add3A_346 = arith.constant 7040 : i32
      %add3A_347 = arith.addi %add3A_346, %multiple_of3A : i32
      %get3A_348 = arith.index_cast %add3A_347 : i32 to index
      %get3A_349 = tpu.vector_load %arg7[%get3A_348] {strides = array<i32>} : memref<25600xf32, #tpu.memory_space<vmem>>, vector<16xf32>,
      %get3A_350 = vector.shape_cast %get3A_349 : vector<16xf32> to vector<16xf32>
      %add3A_351 = arith.addf %add3A_345, %get3A_350 : vector<16xf32>
      %add3A_352 = arith.constant 7168 : i32
      %add3A_353 = arith.addi %add3A_352, %multiple_of3A : i32
      %get3A_354 = arith.index_cast %add3A_353 : i32 to index
      %get3A_355 = tpu.vector_load %arg7[%get3A_354] {strides = array<i32>} : memref<25600xf32, #tpu.memory_space<vmem>>, vector<16xf32>,
      %get3A_356 = vector.shape_cast %get3A_355 : vector<16xf32> to vector<16xf32>
      %add3A_357 = arith.addf %add3A_351, %get3A_356 : vector<16xf32>
      %add3A_358 = arith.constant 7296 : i32
      %add3A_359 = arith.addi %add3A_358, %multiple_of3A : i32
      %get3A_360 = arith.index_cast %add3A_359 : i32 to index
      %get3A_361 = tpu.vector_load %arg7[%get3A_360] {strides = array<i32>} : memref<25600xf32, #tpu.memory_space<vmem>>, vector<16xf32>,
      %get3A_362 = vector.shape_cast %get3A_361 : vector<16xf32> to vector<16xf32>
      %add3A_363 = arith.addf %add3A_357, %get3A_362 : vector<16xf32>
      %add3A_364 = arith.constant 7424 : i32
      %add3A_365 = arith.addi %add3A_364, %multiple_of3A : i32
      %get3A_366 = arith.index_cast %add3A_365 : i32 to index
      %get3A_367 = tpu.vector_load %arg7[%get3A_366] {strides = array<i32>} : memref<25600xf32, #tpu.memory_space<vmem>>, vector<16xf32>,
      %get3A_368 = vector.shape_cast %get3A_367 : vector<16xf32> to vector<16xf32>
      %add3A_369 = arith.addf %add3A_363, %get3A_368 : vector<16xf32>
      %add3A_370 = arith.constant 7552 : i32
      %add3A_371 = arith.addi %add3A_370, %multiple_of3A : i32
      %get3A_372 = arith.index_cast %add3A_371 : i32 to index
      %get3A_373 = tpu.vector_load %arg7[%get3A_372] {strides = array<i32>} : memref<25600xf32, #tpu.memory_space<vmem>>, vector<16xf32>,
      %get3A_374 = vector.shape_cast %get3A_373 : vector<16xf32> to vector<16xf32>
      %add3A_375 = arith.addf %add3A_369, %get3A_374 : vector<16xf32>
      %add3A_376 = arith.constant 7680 : i32
      %add3A_377 = arith.addi %add3A_376, %multiple_of3A : i32
      %get3A_378 = arith.index_cast %add3A_377 : i32 to index
      %get3A_379 = tpu.vector_load %arg7[%get3A_378] {strides = array<i32>} : memref<25600xf32, #tpu.memory_space<vmem>>, vector<16xf32>,
      %get3A_380 = vector.shape_cast %get3A_379 : vector<16xf32> to vector<16xf32>
      %add3A_381 = arith.addf %add3A_375, %get3A_380 : vector<16xf32>
      %add3A_382 = arith.constant 7808 : i32
      %add3A_383 = arith.addi %add3A_382, %multiple_of3A : i32
      %get3A_384 = arith.index_cast %add3A_383 : i32 to index
      %get3A_385 = tpu.vector_load %arg7[%get3A_384] {strides = array<i32>} : memref<25600xf32, #tpu.memory_space<vmem>>, vector<16xf32>,
      %get3A_386 = vector.shape_cast %get3A_385 : vector<16xf32> to vector<16xf32>
      %add3A_387 = arith.addf %add3A_381, %get3A_386 : vector<16xf32>
      %add3A_388 = arith.constant 7936 : i32
      %add3A_389 = arith.addi %add3A_388, %multiple_of3A : i32
      %get3A_390 = arith.index_cast %add3A_389 : i32 to index
      %get3A_391 = tpu.vector_load %arg7[%get3A_390] {strides = array<i32>} : memref<25600xf32, #tpu.memory_space<vmem>>, vector<16xf32>,
      %get3A_392 = vector.shape_cast %get3A_391 : vector<16xf32> to vector<16xf32>
      %add3A_393 = arith.addf %add3A_387, %get3A_392 : vector<16xf32>
      %add3A_394 = arith.constant 8064 : i32
      %add3A_395 = arith.addi %add3A_394, %multiple_of3A : i32
      %get3A_396 = arith.index_cast %add3A_395 : i32 to index
      %get3A_397 = tpu.vector_load %arg7[%get3A_396] {strides = array<i32>} : memref<25600xf32, #tpu.memory_space<vmem>>, vector<16xf32>,
      %get3A_398 = vector.shape_cast %get3A_397 : vector<16xf32> to vector<16xf32>
      %add3A_399 = arith.addf %add3A_393, %get3A_398 : vector<16xf32>
      %add3A_400 = arith.constant 8192 : i32
      %add3A_401 = arith.addi %add3A_400, %multiple_of3A : i32
      %get3A_402 = arith.index_cast %add3A_401 : i32 to index
      %get3A_403 = tpu.vector_load %arg7[%get3A_402] {strides = array<i32>} : memref<25600xf32, #tpu.memory_space<vmem>>, vector<16xf32>,
      %get3A_404 = vector.shape_cast %get3A_403 : vector<16xf32> to vector<16xf32>
      %add3A_405 = arith.addf %add3A_399, %get3A_404 : vector<16xf32>
      %add3A_406 = arith.constant 8320 : i32
      %add3A_407 = arith.addi %add3A_406, %multiple_of3A : i32
      %get3A_408 = arith.index_cast %add3A_407 : i32 to index
      %get3A_409 = tpu.vector_load %arg7[%get3A_408] {strides = array<i32>} : memref<25600xf32, #tpu.memory_space<vmem>>, vector<16xf32>,
      %get3A_410 = vector.shape_cast %get3A_409 : vector<16xf32> to vector<16xf32>
      %add3A_411 = arith.addf %add3A_405, %get3A_410 : vector<16xf32>
      %add3A_412 = arith.constant 8448 : i32
      %add3A_413 = arith.addi %add3A_412, %multiple_of3A : i32
      %get3A_414 = arith.index_cast %add3A_413 : i32 to index
      %get3A_415 = tpu.vector_load %arg7[%get3A_414] {strides = array<i32>} : memref<25600xf32, #tpu.memory_space<vmem>>, vector<16xf32>,
      %get3A_416 = vector.shape_cast %get3A_415 : vector<16xf32> to vector<16xf32>
      %add3A_417 = arith.addf %add3A_411, %get3A_416 : vector<16xf32>
      %add3A_418 = arith.constant 8576 : i32
      %add3A_419 = arith.addi %add3A_418, %multiple_of3A : i32
      %get3A_420 = arith.index_cast %add3A_419 : i32 to index
      %get3A_421 = tpu.vector_load %arg7[%get3A_420] {strides = array<i32>} : memref<25600xf32, #tpu.memory_space<vmem>>, vector<16xf32>,
      %get3A_422 = vector.shape_cast %get3A_421 : vector<16xf32> to vector<16xf32>
      %add3A_423 = arith.addf %add3A_417, %get3A_422 : vector<16xf32>
      %add3A_424 = arith.constant 8704 : i32
      %add3A_425 = arith.addi %add3A_424, %multiple_of3A : i32
      %get3A_426 = arith.index_cast %add3A_425 : i32 to index
      %get3A_427 = tpu.vector_load %arg7[%get3A_426] {strides = array<i32>} : memref<25600xf32, #tpu.memory_space<vmem>>, vector<16xf32>,
      %get3A_428 = vector.shape_cast %get3A_427 : vector<16xf32> to vector<16xf32>
      %add3A_429 = arith.addf %add3A_423, %get3A_428 : vector<16xf32>
      %add3A_430 = arith.constant 8832 : i32
      %add3A_431 = arith.addi %add3A_430, %multiple_of3A : i32
      %get3A_432 = arith.index_cast %add3A_431 : i32 to index
      %get3A_433 = tpu.vector_load %arg7[%get3A_432] {strides = array<i32>} : memref<25600xf32, #tpu.memory_space<vmem>>, vector<16xf32>,
      %get3A_434 = vector.shape_cast %get3A_433 : vector<16xf32> to vector<16xf32>
      %add3A_435 = arith.addf %add3A_429, %get3A_434 : vector<16xf32>
      %add3A_436 = arith.constant 8960 : i32
      %add3A_437 = arith.addi %add3A_436, %multiple_of3A : i32
      %get3A_438 = arith.index_cast %add3A_437 : i32 to index
      %get3A_439 = tpu.vector_load %arg7[%get3A_438] {strides = array<i32>} : memref<25600xf32, #tpu.memory_space<vmem>>, vector<16xf32>,
      %get3A_440 = vector.shape_cast %get3A_439 : vector<16xf32> to vector<16xf32>
      %add3A_441 = arith.addf %add3A_435, %get3A_440 : vector<16xf32>
      %add3A_442 = arith.constant 9088 : i32
      %add3A_443 = arith.addi %add3A_442, %multiple_of3A : i32
      %get3A_444 = arith.index_cast %add3A_443 : i32 to index
      %get3A_445 = tpu.vector_load %arg7[%get3A_444] {strides = array<i32>} : memref<25600xf32, #tpu.memory_space<vmem>>, vector<16xf32>,
      %get3A_446 = vector.shape_cast %get3A_445 : vector<16xf32> to vector<16xf32>
      %add3A_447 = arith.addf %add3A_441, %get3A_446 : vector<16xf32>
      %add3A_448 = arith.constant 9216 : i32
      %add3A_449 = arith.addi %add3A_448, %multiple_of3A : i32
      %get3A_450 = arith.index_cast %add3A_449 : i32 to index
      %get3A_451 = tpu.vector_load %arg7[%get3A_450] {strides = array<i32>} : memref<25600xf32, #tpu.memory_space<vmem>>, vector<16xf32>,
      %get3A_452 = vector.shape_cast %get3A_451 : vector<16xf32> to vector<16xf32>
      %add3A_453 = arith.addf %add3A_447, %get3A_452 : vector<16xf32>
      %add3A_454 = arith.constant 9344 : i32
      %add3A_455 = arith.addi %add3A_454, %multiple_of3A : i32
      %get3A_456 = arith.index_cast %add3A_455 : i32 to index
      %get3A_457 = tpu.vector_load %arg7[%get3A_456] {strides = array<i32>} : memref<25600xf32, #tpu.memory_space<vmem>>, vector<16xf32>,
      %get3A_458 = vector.shape_cast %get3A_457 : vector<16xf32> to vector<16xf32>
      %add3A_459 = arith.addf %add3A_453, %get3A_458 : vector<16xf32>
      %add3A_460 = arith.constant 9472 : i32
      %add3A_461 = arith.addi %add3A_460, %multiple_of3A : i32
      %get3A_462 = arith.index_cast %add3A_461 : i32 to index
      %get3A_463 = tpu.vector_load %arg7[%get3A_462] {strides = array<i32>} : memref<25600xf32, #tpu.memory_space<vmem>>, vector<16xf32>,
      %get3A_464 = vector.shape_cast %get3A_463 : vector<16xf32> to vector<16xf32>
      %add3A_465 = arith.addf %add3A_459, %get3A_464 : vector<16xf32>
      %add3A_466 = arith.constant 9600 : i32
      %add3A_467 = arith.addi %add3A_466, %multiple_of3A : i32
      %get3A_468 = arith.index_cast %add3A_467 : i32 to index
      %get3A_469 = tpu.vector_load %arg7[%get3A_468] {strides = array<i32>} : memref<25600xf32, #tpu.memory_space<vmem>>, vector<16xf32>,
      %get3A_470 = vector.shape_cast %get3A_469 : vector<16xf32> to vector<16xf32>
      %add3A_471 = arith.addf %add3A_465, %get3A_470 : vector<16xf32>
      %add3A_472 = arith.constant 9728 : i32
      %add3A_473 = arith.addi %add3A_472, %multiple_of3A : i32
      %get3A_474 = arith.index_cast %add3A_473 : i32 to index
      %get3A_475 = tpu.vector_load %arg7[%get3A_474] {strides = array<i32>} : memref<25600xf32, #tpu.memory_space<vmem>>, vector<16xf32>,
      %get3A_476 = vector.shape_cast %get3A_475 : vector<16xf32> to vector<16xf32>
      %add3A_477 = arith.addf %add3A_471, %get3A_476 : vector<16xf32>
      %add3A_478 = arith.constant 9856 : i32
      %add3A_479 = arith.addi %add3A_478, %multiple_of3A : i32
      %get3A_480 = arith.index_cast %add3A_479 : i32 to index
      %get3A_481 = tpu.vector_load %arg7[%get3A_480] {strides = array<i32>} : memref<25600xf32, #tpu.memory_space<vmem>>, vector<16xf32>,
      %get3A_482 = vector.shape_cast %get3A_481 : vector<16xf32> to vector<16xf32>
      %add3A_483 = arith.addf %add3A_477, %get3A_482 : vector<16xf32>
      %add3A_484 = arith.constant 9984 : i32
      %add3A_485 = arith.addi %add3A_484, %multiple_of3A : i32
      %get3A_486 = arith.index_cast %add3A_485 : i32 to index
      %get3A_487 = tpu.vector_load %arg7[%get3A_486] {strides = array<i32>} : memref<25600xf32, #tpu.memory_space<vmem>>, vector<16xf32>,
      %get3A_488 = vector.shape_cast %get3A_487 : vector<16xf32> to vector<16xf32>
      %add3A_489 = arith.addf %add3A_483, %get3A_488 : vector<16xf32>
      %add3A_490 = arith.constant 10112 : i32
      %add3A_491 = arith.addi %add3A_490, %multiple_of3A : i32
      %get3A_492 = arith.index_cast %add3A_491 : i32 to index
      %get3A_493 = tpu.vector_load %arg7[%get3A_492] {strides = array<i32>} : memref<25600xf32, #tpu.memory_space<vmem>>, vector<16xf32>,
      %get3A_494 = vector.shape_cast %get3A_493 : vector<16xf32> to vector<16xf32>
      %add3A_495 = arith.addf %add3A_489, %get3A_494 : vector<16xf32>
      %add3A_496 = arith.constant 10240 : i32
      %add3A_497 = arith.addi %add3A_496, %multiple_of3A : i32
      %get3A_498 = arith.index_cast %add3A_497 : i32 to index
      %get3A_499 = tpu.vector_load %arg7[%get3A_498] {strides = array<i32>} : memref<25600xf32, #tpu.memory_space<vmem>>, vector<16xf32>,
      %get3A_500 = vector.shape_cast %get3A_499 : vector<16xf32> to vector<16xf32>
      %add3A_501 = arith.addf %add3A_495, %get3A_500 : vector<16xf32>
      %add3A_502 = arith.constant 10368 : i32
      %add3A_503 = arith.addi %add3A_502, %multiple_of3A : i32
      %get3A_504 = arith.index_cast %add3A_503 : i32 to index
      %get3A_505 = tpu.vector_load %arg7[%get3A_504] {strides = array<i32>} : memref<25600xf32, #tpu.memory_space<vmem>>, vector<16xf32>,
      %get3A_506 = vector.shape_cast %get3A_505 : vector<16xf32> to vector<16xf32>
      %add3A_507 = arith.addf %add3A_501, %get3A_506 : vector<16xf32>
      %add3A_508 = arith.constant 10496 : i32
      %add3A_509 = arith.addi %add3A_508, %multiple_of3A : i32
      %get3A_510 = arith.index_cast %add3A_509 : i32 to index
      %get3A_511 = tpu.vector_load %arg7[%get3A_510] {strides = array<i32>} : memref<25600xf32, #tpu.memory_space<vmem>>, vector<16xf32>,
      %get3A_512 = vector.shape_cast %get3A_511 : vector<16xf32> to vector<16xf32>
      %add3A_513 = arith.addf %add3A_507, %get3A_512 : vector<16xf32>
      %add3A_514 = arith.constant 10624 : i32
      %add3A_515 = arith.addi %add3A_514, %multiple_of3A : i32
      %get3A_516 = arith.index_cast %add3A_515 : i32 to index
      %get3A_517 = tpu.vector_load %arg7[%get3A_516] {strides = array<i32>} : memref<25600xf32, #tpu.memory_space<vmem>>, vector<16xf32>,
      %get3A_518 = vector.shape_cast %get3A_517 : vector<16xf32> to vector<16xf32>
      %add3A_519 = arith.addf %add3A_513, %get3A_518 : vector<16xf32>
      %add3A_520 = arith.constant 10752 : i32
      %add3A_521 = arith.addi %add3A_520, %multiple_of3A : i32
      %get3A_522 = arith.index_cast %add3A_521 : i32 to index
      %get3A_523 = tpu.vector_load %arg7[%get3A_522] {strides = array<i32>} : memref<25600xf32, #tpu.memory_space<vmem>>, vector<16xf32>,
      %get3A_524 = vector.shape_cast %get3A_523 : vector<16xf32> to vector<16xf32>
      %add3A_525 = arith.addf %add3A_519, %get3A_524 : vector<16xf32>
      %add3A_526 = arith.constant 10880 : i32
      %add3A_527 = arith.addi %add3A_526, %multiple_of3A : i32
      %get3A_528 = arith.index_cast %add3A_527 : i32 to index
      %get3A_529 = tpu.vector_load %arg7[%get3A_528] {strides = array<i32>} : memref<25600xf32, #tpu.memory_space<vmem>>, vector<16xf32>,
      %get3A_530 = vector.shape_cast %get3A_529 : vector<16xf32> to vector<16xf32>
      %add3A_531 = arith.addf %add3A_525, %get3A_530 : vector<16xf32>
      %add3A_532 = arith.constant 11008 : i32
      %add3A_533 = arith.addi %add3A_532, %multiple_of3A : i32
      %get3A_534 = arith.index_cast %add3A_533 : i32 to index
      %get3A_535 = tpu.vector_load %arg7[%get3A_534] {strides = array<i32>} : memref<25600xf32, #tpu.memory_space<vmem>>, vector<16xf32>,
      %get3A_536 = vector.shape_cast %get3A_535 : vector<16xf32> to vector<16xf32>
      %add3A_537 = arith.addf %add3A_531, %get3A_536 : vector<16xf32>
      %add3A_538 = arith.constant 11136 : i32
      %add3A_539 = arith.addi %add3A_538, %multiple_of3A : i32
      %get3A_540 = arith.index_cast %add3A_539 : i32 to index
      %get3A_541 = tpu.vector_load %arg7[%get3A_540] {strides = array<i32>} : memref<25600xf32, #tpu.memory_space<vmem>>, vector<16xf32>,
      %get3A_542 = vector.shape_cast %get3A_541 : vector<16xf32> to vector<16xf32>
      %add3A_543 = arith.addf %add3A_537, %get3A_542 : vector<16xf32>
      %add3A_544 = arith.constant 11264 : i32
      %add3A_545 = arith.addi %add3A_544, %multiple_of3A : i32
      %get3A_546 = arith.index_cast %add3A_545 : i32 to index
      %get3A_547 = tpu.vector_load %arg7[%get3A_546] {strides = array<i32>} : memref<25600xf32, #tpu.memory_space<vmem>>, vector<16xf32>,
      %get3A_548 = vector.shape_cast %get3A_547 : vector<16xf32> to vector<16xf32>
      %add3A_549 = arith.addf %add3A_543, %get3A_548 : vector<16xf32>
      %add3A_550 = arith.constant 11392 : i32
      %add3A_551 = arith.addi %add3A_550, %multiple_of3A : i32
      %get3A_552 = arith.index_cast %add3A_551 : i32 to index
      %get3A_553 = tpu.vector_load %arg7[%get3A_552] {strides = array<i32>} : memref<25600xf32, #tpu.memory_space<vmem>>, vector<16xf32>,
      %get3A_554 = vector.shape_cast %get3A_553 : vector<16xf32> to vector<16xf32>
      %add3A_555 = arith.addf %add3A_549, %get3A_554 : vector<16xf32>
      %add3A_556 = arith.constant 11520 : i32
      %add3A_557 = arith.addi %add3A_556, %multiple_of3A : i32
      %get3A_558 = arith.index_cast %add3A_557 : i32 to index
      %get3A_559 = tpu.vector_load %arg7[%get3A_558] {strides = array<i32>} : memref<25600xf32, #tpu.memory_space<vmem>>, vector<16xf32>,
      %get3A_560 = vector.shape_cast %get3A_559 : vector<16xf32> to vector<16xf32>
      %add3A_561 = arith.addf %add3A_555, %get3A_560 : vector<16xf32>
      %add3A_562 = arith.constant 11648 : i32
      %add3A_563 = arith.addi %add3A_562, %multiple_of3A : i32
      %get3A_564 = arith.index_cast %add3A_563 : i32 to index
      %get3A_565 = tpu.vector_load %arg7[%get3A_564] {strides = array<i32>} : memref<25600xf32, #tpu.memory_space<vmem>>, vector<16xf32>,
      %get3A_566 = vector.shape_cast %get3A_565 : vector<16xf32> to vector<16xf32>
      %add3A_567 = arith.addf %add3A_561, %get3A_566 : vector<16xf32>
      %add3A_568 = arith.constant 11776 : i32
      %add3A_569 = arith.addi %add3A_568, %multiple_of3A : i32
      %get3A_570 = arith.index_cast %add3A_569 : i32 to index
      %get3A_571 = tpu.vector_load %arg7[%get3A_570] {strides = array<i32>} : memref<25600xf32, #tpu.memory_space<vmem>>, vector<16xf32>,
      %get3A_572 = vector.shape_cast %get3A_571 : vector<16xf32> to vector<16xf32>
      %add3A_573 = arith.addf %add3A_567, %get3A_572 : vector<16xf32>
      %add3A_574 = arith.constant 11904 : i32
      %add3A_575 = arith.addi %add3A_574, %multiple_of3A : i32
      %get3A_576 = arith.index_cast %add3A_575 : i32 to index
      %get3A_577 = tpu.vector_load %arg7[%get3A_576] {strides = array<i32>} : memref<25600xf32, #tpu.memory_space<vmem>>, vector<16xf32>,
      %get3A_578 = vector.shape_cast %get3A_577 : vector<16xf32> to vector<16xf32>
      %add3A_579 = arith.addf %add3A_573, %get3A_578 : vector<16xf32>
      %add3A_580 = arith.constant 12032 : i32
      %add3A_581 = arith.addi %add3A_580, %multiple_of3A : i32
      %get3A_582 = arith.index_cast %add3A_581 : i32 to index
      %get3A_583 = tpu.vector_load %arg7[%get3A_582] {strides = array<i32>} : memref<25600xf32, #tpu.memory_space<vmem>>, vector<16xf32>,
      %get3A_584 = vector.shape_cast %get3A_583 : vector<16xf32> to vector<16xf32>
      %add3A_585 = arith.addf %add3A_579, %get3A_584 : vector<16xf32>
      %add3A_586 = arith.constant 12160 : i32
      %add3A_587 = arith.addi %add3A_586, %multiple_of3A : i32
      %get3A_588 = arith.index_cast %add3A_587 : i32 to index
      %get3A_589 = tpu.vector_load %arg7[%get3A_588] {strides = array<i32>} : memref<25600xf32, #tpu.memory_space<vmem>>, vector<16xf32>,
      %get3A_590 = vector.shape_cast %get3A_589 : vector<16xf32> to vector<16xf32>
      %add3A_591 = arith.addf %add3A_585, %get3A_590 : vector<16xf32>
      %add3A_592 = arith.constant 12288 : i32
      %add3A_593 = arith.addi %add3A_592, %multiple_of3A : i32
      %get3A_594 = arith.index_cast %add3A_593 : i32 to index
      %get3A_595 = tpu.vector_load %arg7[%get3A_594] {strides = array<i32>} : memref<25600xf32, #tpu.memory_space<vmem>>, vector<16xf32>,
      %get3A_596 = vector.shape_cast %get3A_595 : vector<16xf32> to vector<16xf32>
      %add3A_597 = arith.addf %add3A_591, %get3A_596 : vector<16xf32>
      %add3A_598 = arith.constant 12416 : i32
      %add3A_599 = arith.addi %add3A_598, %multiple_of3A : i32
      %get3A_600 = arith.index_cast %add3A_599 : i32 to index
      %get3A_601 = tpu.vector_load %arg7[%get3A_600] {strides = array<i32>} : memref<25600xf32, #tpu.memory_space<vmem>>, vector<16xf32>,
      %get3A_602 = vector.shape_cast %get3A_601 : vector<16xf32> to vector<16xf32>
      %add3A_603 = arith.addf %add3A_597, %get3A_602 : vector<16xf32>
      %add3A_604 = arith.constant 12544 : i32
      %add3A_605 = arith.addi %add3A_604, %multiple_of3A : i32
      %get3A_606 = arith.index_cast %add3A_605 : i32 to index
      %get3A_607 = tpu.vector_load %arg7[%get3A_606] {strides = array<i32>} : memref<25600xf32, #tpu.memory_space<vmem>>, vector<16xf32>,
      %get3A_608 = vector.shape_cast %get3A_607 : vector<16xf32> to vector<16xf32>
      %add3A_609 = arith.addf %add3A_603, %get3A_608 : vector<16xf32>
      %add3A_610 = arith.constant 12672 : i32
      %add3A_611 = arith.addi %add3A_610, %multiple_of3A : i32
      %get3A_612 = arith.index_cast %add3A_611 : i32 to index
      %get3A_613 = tpu.vector_load %arg7[%get3A_612] {strides = array<i32>} : memref<25600xf32, #tpu.memory_space<vmem>>, vector<16xf32>,
      %get3A_614 = vector.shape_cast %get3A_613 : vector<16xf32> to vector<16xf32>
      %add3A_615 = arith.addf %add3A_609, %get3A_614 : vector<16xf32>
      %add3A_616 = arith.constant 12800 : i32
      %add3A_617 = arith.addi %add3A_616, %multiple_of3A : i32
      %get3A_618 = arith.index_cast %add3A_617 : i32 to index
      %get3A_619 = tpu.vector_load %arg7[%get3A_618] {strides = array<i32>} : memref<25600xf32, #tpu.memory_space<vmem>>, vector<16xf32>,
      %get3A_620 = vector.shape_cast %get3A_619 : vector<16xf32> to vector<16xf32>
      %add3A_621 = arith.addf %add3A_615, %get3A_620 : vector<16xf32>
      %add3A_622 = arith.constant 12928 : i32
      %add3A_623 = arith.addi %add3A_622, %multiple_of3A : i32
      %get3A_624 = arith.index_cast %add3A_623 : i32 to index
      %get3A_625 = tpu.vector_load %arg7[%get3A_624] {strides = array<i32>} : memref<25600xf32, #tpu.memory_space<vmem>>, vector<16xf32>,
      %get3A_626 = vector.shape_cast %get3A_625 : vector<16xf32> to vector<16xf32>
      %add3A_627 = arith.addf %add3A_621, %get3A_626 : vector<16xf32>
      %add3A_628 = arith.constant 13056 : i32
      %add3A_629 = arith.addi %add3A_628, %multiple_of3A : i32
      %get3A_630 = arith.index_cast %add3A_629 : i32 to index
      %get3A_631 = tpu.vector_load %arg7[%get3A_630] {strides = array<i32>} : memref<25600xf32, #tpu.memory_space<vmem>>, vector<16xf32>,
      %get3A_632 = vector.shape_cast %get3A_631 : vector<16xf32> to vector<16xf32>
      %add3A_633 = arith.addf %add3A_627, %get3A_632 : vector<16xf32>
      %add3A_634 = arith.constant 13184 : i32
      %add3A_635 = arith.addi %add3A_634, %multiple_of3A : i32
      %get3A_636 = arith.index_cast %add3A_635 : i32 to index
      %get3A_637 = tpu.vector_load %arg7[%get3A_636] {strides = array<i32>} : memref<25600xf32, #tpu.memory_space<vmem>>, vector<16xf32>,
      %get3A_638 = vector.shape_cast %get3A_637 : vector<16xf32> to vector<16xf32>
      %add3A_639 = arith.addf %add3A_633, %get3A_638 : vector<16xf32>
      %add3A_640 = arith.constant 13312 : i32
      %add3A_641 = arith.addi %add3A_640, %multiple_of3A : i32
      %get3A_642 = arith.index_cast %add3A_641 : i32 to index
      %get3A_643 = tpu.vector_load %arg7[%get3A_642] {strides = array<i32>} : memref<25600xf32, #tpu.memory_space<vmem>>, vector<16xf32>,
      %get3A_644 = vector.shape_cast %get3A_643 : vector<16xf32> to vector<16xf32>
      %add3A_645 = arith.addf %add3A_639, %get3A_644 : vector<16xf32>
      %add3A_646 = arith.constant 13440 : i32
      %add3A_647 = arith.addi %add3A_646, %multiple_of3A : i32
      %get3A_648 = arith.index_cast %add3A_647 : i32 to index
      %get3A_649 = tpu.vector_load %arg7[%get3A_648] {strides = array<i32>} : memref<25600xf32, #tpu.memory_space<vmem>>, vector<16xf32>,
      %get3A_650 = vector.shape_cast %get3A_649 : vector<16xf32> to vector<16xf32>
      %add3A_651 = arith.addf %add3A_645, %get3A_650 : vector<16xf32>
      %add3A_652 = arith.constant 13568 : i32
      %add3A_653 = arith.addi %add3A_652, %multiple_of3A : i32
      %get3A_654 = arith.index_cast %add3A_653 : i32 to index
      %get3A_655 = tpu.vector_load %arg7[%get3A_654] {strides = array<i32>} : memref<25600xf32, #tpu.memory_space<vmem>>, vector<16xf32>,
      %get3A_656 = vector.shape_cast %get3A_655 : vector<16xf32> to vector<16xf32>
      %add3A_657 = arith.addf %add3A_651, %get3A_656 : vector<16xf32>
      %add3A_658 = arith.constant 13696 : i32
      %add3A_659 = arith.addi %add3A_658, %multiple_of3A : i32
      %get3A_660 = arith.index_cast %add3A_659 : i32 to index
      %get3A_661 = tpu.vector_load %arg7[%get3A_660] {strides = array<i32>} : memref<25600xf32, #tpu.memory_space<vmem>>, vector<16xf32>,
      %get3A_662 = vector.shape_cast %get3A_661 : vector<16xf32> to vector<16xf32>
      %add3A_663 = arith.addf %add3A_657, %get3A_662 : vector<16xf32>
      %add3A_664 = arith.constant 13824 : i32
      %add3A_665 = arith.addi %add3A_664, %multiple_of3A : i32
      %get3A_666 = arith.index_cast %add3A_665 : i32 to index
      %get3A_667 = tpu.vector_load %arg7[%get3A_666] {strides = array<i32>} : memref<25600xf32, #tpu.memory_space<vmem>>, vector<16xf32>,
      %get3A_668 = vector.shape_cast %get3A_667 : vector<16xf32> to vector<16xf32>
      %add3A_669 = arith.addf %add3A_663, %get3A_668 : vector<16xf32>
      %add3A_670 = arith.constant 13952 : i32
      %add3A_671 = arith.addi %add3A_670, %multiple_of3A : i32
      %get3A_672 = arith.index_cast %add3A_671 : i32 to index
      %get3A_673 = tpu.vector_load %arg7[%get3A_672] {strides = array<i32>} : memref<25600xf32, #tpu.memory_space<vmem>>, vector<16xf32>,
      %get3A_674 = vector.shape_cast %get3A_673 : vector<16xf32> to vector<16xf32>
      %add3A_675 = arith.addf %add3A_669, %get3A_674 : vector<16xf32>
      %add3A_676 = arith.constant 14080 : i32
      %add3A_677 = arith.addi %add3A_676, %multiple_of3A : i32
      %get3A_678 = arith.index_cast %add3A_677 : i32 to index
      %get3A_679 = tpu.vector_load %arg7[%get3A_678] {strides = array<i32>} : memref<25600xf32, #tpu.memory_space<vmem>>, vector<16xf32>,
      %get3A_680 = vector.shape_cast %get3A_679 : vector<16xf32> to vector<16xf32>
      %add3A_681 = arith.addf %add3A_675, %get3A_680 : vector<16xf32>
      %add3A_682 = arith.constant 14208 : i32
      %add3A_683 = arith.addi %add3A_682, %multiple_of3A : i32
      %get3A_684 = arith.index_cast %add3A_683 : i32 to index
      %get3A_685 = tpu.vector_load %arg7[%get3A_684] {strides = array<i32>} : memref<25600xf32, #tpu.memory_space<vmem>>, vector<16xf32>,
      %get3A_686 = vector.shape_cast %get3A_685 : vector<16xf32> to vector<16xf32>
      %add3A_687 = arith.addf %add3A_681, %get3A_686 : vector<16xf32>
      %add3A_688 = arith.constant 14336 : i32
      %add3A_689 = arith.addi %add3A_688, %multiple_of3A : i32
      %get3A_690 = arith.index_cast %add3A_689 : i32 to index
      %get3A_691 = tpu.vector_load %arg7[%get3A_690] {strides = array<i32>} : memref<25600xf32, #tpu.memory_space<vmem>>, vector<16xf32>,
      %get3A_692 = vector.shape_cast %get3A_691 : vector<16xf32> to vector<16xf32>
      %add3A_693 = arith.addf %add3A_687, %get3A_692 : vector<16xf32>
      %add3A_694 = arith.constant 14464 : i32
      %add3A_695 = arith.addi %add3A_694, %multiple_of3A : i32
      %get3A_696 = arith.index_cast %add3A_695 : i32 to index
      %get3A_697 = tpu.vector_load %arg7[%get3A_696] {strides = array<i32>} : memref<25600xf32, #tpu.memory_space<vmem>>, vector<16xf32>,
      %get3A_698 = vector.shape_cast %get3A_697 : vector<16xf32> to vector<16xf32>
      %add3A_699 = arith.addf %add3A_693, %get3A_698 : vector<16xf32>
      %add3A_700 = arith.constant 14592 : i32
      %add3A_701 = arith.addi %add3A_700, %multiple_of3A : i32
      %get3A_702 = arith.index_cast %add3A_701 : i32 to index
      %get3A_703 = tpu.vector_load %arg7[%get3A_702] {strides = array<i32>} : memref<25600xf32, #tpu.memory_space<vmem>>, vector<16xf32>,
      %get3A_704 = vector.shape_cast %get3A_703 : vector<16xf32> to vector<16xf32>
      %add3A_705 = arith.addf %add3A_699, %get3A_704 : vector<16xf32>
      %add3A_706 = arith.constant 14720 : i32
      %add3A_707 = arith.addi %add3A_706, %multiple_of3A : i32
      %get3A_708 = arith.index_cast %add3A_707 : i32 to index
      %get3A_709 = tpu.vector_load %arg7[%get3A_708] {strides = array<i32>} : memref<25600xf32, #tpu.memory_space<vmem>>, vector<16xf32>,
      %get3A_710 = vector.shape_cast %get3A_709 : vector<16xf32> to vector<16xf32>
      %add3A_711 = arith.addf %add3A_705, %get3A_710 : vector<16xf32>
      %add3A_712 = arith.constant 14848 : i32
      %add3A_713 = arith.addi %add3A_712, %multiple_of3A : i32
      %get3A_714 = arith.index_cast %add3A_713 : i32 to index
      %get3A_715 = tpu.vector_load %arg7[%get3A_714] {strides = array<i32>} : memref<25600xf32, #tpu.memory_space<vmem>>, vector<16xf32>,
      %get3A_716 = vector.shape_cast %get3A_715 : vector<16xf32> to vector<16xf32>
      %add3A_717 = arith.addf %add3A_711, %get3A_716 : vector<16xf32>
      %add3A_718 = arith.constant 14976 : i32
      %add3A_719 = arith.addi %add3A_718, %multiple_of3A : i32
      %get3A_720 = arith.index_cast %add3A_719 : i32 to index
      %get3A_721 = tpu.vector_load %arg7[%get3A_720] {strides = array<i32>} : memref<25600xf32, #tpu.memory_space<vmem>>, vector<16xf32>,
      %get3A_722 = vector.shape_cast %get3A_721 : vector<16xf32> to vector<16xf32>
      %add3A_723 = arith.addf %add3A_717, %get3A_722 : vector<16xf32>
      %add3A_724 = arith.constant 15104 : i32
      %add3A_725 = arith.addi %add3A_724, %multiple_of3A : i32
      %get3A_726 = arith.index_cast %add3A_725 : i32 to index
      %get3A_727 = tpu.vector_load %arg7[%get3A_726] {strides = array<i32>} : memref<25600xf32, #tpu.memory_space<vmem>>, vector<16xf32>,
      %get3A_728 = vector.shape_cast %get3A_727 : vector<16xf32> to vector<16xf32>
      %add3A_729 = arith.addf %add3A_723, %get3A_728 : vector<16xf32>
      %add3A_730 = arith.constant 15232 : i32
      %add3A_731 = arith.addi %add3A_730, %multiple_of3A : i32
      %get3A_732 = arith.index_cast %add3A_731 : i32 to index
      %get3A_733 = tpu.vector_load %arg7[%get3A_732] {strides = array<i32>} : memref<25600xf32, #tpu.memory_space<vmem>>, vector<16xf32>,
      %get3A_734 = vector.shape_cast %get3A_733 : vector<16xf32> to vector<16xf32>
      %add3A_735 = arith.addf %add3A_729, %get3A_734 : vector<16xf32>
      %add3A_736 = arith.constant 15360 : i32
      %add3A_737 = arith.addi %add3A_736, %multiple_of3A : i32
      %get3A_738 = arith.index_cast %add3A_737 : i32 to index
      %get3A_739 = tpu.vector_load %arg7[%get3A_738] {strides = array<i32>} : memref<25600xf32, #tpu.memory_space<vmem>>, vector<16xf32>,
      %get3A_740 = vector.shape_cast %get3A_739 : vector<16xf32> to vector<16xf32>
      %add3A_741 = arith.addf %add3A_735, %get3A_740 : vector<16xf32>
      %add3A_742 = arith.constant 15488 : i32
      %add3A_743 = arith.addi %add3A_742, %multiple_of3A : i32
      %get3A_744 = arith.index_cast %add3A_743 : i32 to index
      %get3A_745 = tpu.vector_load %arg7[%get3A_744] {strides = array<i32>} : memref<25600xf32, #tpu.memory_space<vmem>>, vector<16xf32>,
      %get3A_746 = vector.shape_cast %get3A_745 : vector<16xf32> to vector<16xf32>
      %add3A_747 = arith.addf %add3A_741, %get3A_746 : vector<16xf32>
      %add3A_748 = arith.constant 15616 : i32
      %add3A_749 = arith.addi %add3A_748, %multiple_of3A : i32
      %get3A_750 = arith.index_cast %add3A_749 : i32 to index
      %get3A_751 = tpu.vector_load %arg7[%get3A_750] {strides = array<i32>} : memref<25600xf32, #tpu.memory_space<vmem>>, vector<16xf32>,
      %get3A_752 = vector.shape_cast %get3A_751 : vector<16xf32> to vector<16xf32>
      %add3A_753 = arith.addf %add3A_747, %get3A_752 : vector<16xf32>
      %add3A_754 = arith.constant 15744 : i32
      %add3A_755 = arith.addi %add3A_754, %multiple_of3A : i32
      %get3A_756 = arith.index_cast %add3A_755 : i32 to index
      %get3A_757 = tpu.vector_load %arg7[%get3A_756] {strides = array<i32>} : memref<25600xf32, #tpu.memory_space<vmem>>, vector<16xf32>,
      %get3A_758 = vector.shape_cast %get3A_757 : vector<16xf32> to vector<16xf32>
      %add3A_759 = arith.addf %add3A_753, %get3A_758 : vector<16xf32>
      %add3A_760 = arith.constant 15872 : i32
      %add3A_761 = arith.addi %add3A_760, %multiple_of3A : i32
      %get3A_762 = arith.index_cast %add3A_761 : i32 to index
      %get3A_763 = tpu.vector_load %arg7[%get3A_762] {strides = array<i32>} : memref<25600xf32, #tpu.memory_space<vmem>>, vector<16xf32>,
      %get3A_764 = vector.shape_cast %get3A_763 : vector<16xf32> to vector<16xf32>
      %add3A_765 = arith.addf %add3A_759, %get3A_764 : vector<16xf32>
      %add3A_766 = arith.constant 16000 : i32
      %add3A_767 = arith.addi %add3A_766, %multiple_of3A : i32
      %get3A_768 = arith.index_cast %add3A_767 : i32 to index
      %get3A_769 = tpu.vector_load %arg7[%get3A_768] {strides = array<i32>} : memref<25600xf32, #tpu.memory_space<vmem>>, vector<16xf32>,
      %get3A_770 = vector.shape_cast %get3A_769 : vector<16xf32> to vector<16xf32>
      %add3A_771 = arith.addf %add3A_765, %get3A_770 : vector<16xf32>
      %add3A_772 = arith.constant 16128 : i32
      %add3A_773 = arith.addi %add3A_772, %multiple_of3A : i32
      %get3A_774 = arith.index_cast %add3A_773 : i32 to index
      %get3A_775 = tpu.vector_load %arg7[%get3A_774] {strides = array<i32>} : memref<25600xf32, #tpu.memory_space<vmem>>, vector<16xf32>,
      %get3A_776 = vector.shape_cast %get3A_775 : vector<16xf32> to vector<16xf32>
      %add3A_777 = arith.addf %add3A_771, %get3A_776 : vector<16xf32>
      %add3A_778 = arith.constant 16256 : i32
      %add3A_779 = arith.addi %add3A_778, %multiple_of3A : i32
      %get3A_780 = arith.index_cast %add3A_779 : i32 to index
      %get3A_781 = tpu.vector_load %arg7[%get3A_780] {strides = array<i32>} : memref<25600xf32, #tpu.memory_space<vmem>>, vector<16xf32>,
      %get3A_782 = vector.shape_cast %get3A_781 : vector<16xf32> to vector<16xf32>
      %add3A_783 = arith.addf %add3A_777, %get3A_782 : vector<16xf32>
      %add3A_784 = arith.constant 16384 : i32
      %add3A_785 = arith.addi %add3A_784, %multiple_of3A : i32
      %get3A_786 = arith.index_cast %add3A_785 : i32 to index
      %get3A_787 = tpu.vector_load %arg7[%get3A_786] {strides = array<i32>} : memref<25600xf32, #tpu.memory_space<vmem>>, vector<16xf32>,
      %get3A_788 = vector.shape_cast %get3A_787 : vector<16xf32> to vector<16xf32>
      %add3A_789 = arith.addf %add3A_783, %get3A_788 : vector<16xf32>
      %add3A_790 = arith.constant 16512 : i32
      %add3A_791 = arith.addi %add3A_790, %multiple_of3A : i32
      %get3A_792 = arith.index_cast %add3A_791 : i32 to index
      %get3A_793 = tpu.vector_load %arg7[%get3A_792] {strides = array<i32>} : memref<25600xf32, #tpu.memory_space<vmem>>, vector<16xf32>,
      %get3A_794 = vector.shape_cast %get3A_793 : vector<16xf32> to vector<16xf32>
      %add3A_795 = arith.addf %add3A_789, %get3A_794 : vector<16xf32>
      %add3A_796 = arith.constant 16640 : i32
      %add3A_797 = arith.addi %add3A_796, %multiple_of3A : i32
      %get3A_798 = arith.index_cast %add3A_797 : i32 to index
      %get3A_799 = tpu.vector_load %arg7[%get3A_798] {strides = array<i32>} : memref<25600xf32, #tpu.memory_space<vmem>>, vector<16xf32>,
      %get3A_800 = vector.shape_cast %get3A_799 : vector<16xf32> to vector<16xf32>
      %add3A_801 = arith.addf %add3A_795, %get3A_800 : vector<16xf32>
      %add3A_802 = arith.constant 16768 : i32
      %add3A_803 = arith.addi %add3A_802, %multiple_of3A : i32
      %get3A_804 = arith.index_cast %add3A_803 : i32 to index
      %get3A_805 = tpu.vector_load %arg7[%get3A_804] {strides = array<i32>} : memref<25600xf32, #tpu.memory_space<vmem>>, vector<16xf32>,
      %get3A_806 = vector.shape_cast %get3A_805 : vector<16xf32> to vector<16xf32>
      %add3A_807 = arith.addf %add3A_801, %get3A_806 : vector<16xf32>
      %add3A_808 = arith.constant 16896 : i32
      %add3A_809 = arith.addi %add3A_808, %multiple_of3A : i32
      %get3A_810 = arith.index_cast %add3A_809 : i32 to index
      %get3A_811 = tpu.vector_load %arg7[%get3A_810] {strides = array<i32>} : memref<25600xf32, #tpu.memory_space<vmem>>, vector<16xf32>,
      %get3A_812 = vector.shape_cast %get3A_811 : vector<16xf32> to vector<16xf32>
      %add3A_813 = arith.addf %add3A_807, %get3A_812 : vector<16xf32>
      %add3A_814 = arith.constant 17024 : i32
      %add3A_815 = arith.addi %add3A_814, %multiple_of3A : i32
      %get3A_816 = arith.index_cast %add3A_815 : i32 to index
      %get3A_817 = tpu.vector_load %arg7[%get3A_816] {strides = array<i32>} : memref<25600xf32, #tpu.memory_space<vmem>>, vector<16xf32>,
      %get3A_818 = vector.shape_cast %get3A_817 : vector<16xf32> to vector<16xf32>
      %add3A_819 = arith.addf %add3A_813, %get3A_818 : vector<16xf32>
      %add3A_820 = arith.constant 17152 : i32
      %add3A_821 = arith.addi %add3A_820, %multiple_of3A : i32
      %get3A_822 = arith.index_cast %add3A_821 : i32 to index
      %get3A_823 = tpu.vector_load %arg7[%get3A_822] {strides = array<i32>} : memref<25600xf32, #tpu.memory_space<vmem>>, vector<16xf32>,
      %get3A_824 = vector.shape_cast %get3A_823 : vector<16xf32> to vector<16xf32>
      %add3A_825 = arith.addf %add3A_819, %get3A_824 : vector<16xf32>
      %add3A_826 = arith.constant 17280 : i32
      %add3A_827 = arith.addi %add3A_826, %multiple_of3A : i32
      %get3A_828 = arith.index_cast %add3A_827 : i32 to index
      %get3A_829 = tpu.vector_load %arg7[%get3A_828] {strides = array<i32>} : memref<25600xf32, #tpu.memory_space<vmem>>, vector<16xf32>,
      %get3A_830 = vector.shape_cast %get3A_829 : vector<16xf32> to vector<16xf32>
      %add3A_831 = arith.addf %add3A_825, %get3A_830 : vector<16xf32>
      %add3A_832 = arith.constant 17408 : i32
      %add3A_833 = arith.addi %add3A_832, %multiple_of3A : i32
      %get3A_834 = arith.index_cast %add3A_833 : i32 to index
      %get3A_835 = tpu.vector_load %arg7[%get3A_834] {strides = array<i32>} : memref<25600xf32, #tpu.memory_space<vmem>>, vector<16xf32>,
      %get3A_836 = vector.shape_cast %get3A_835 : vector<16xf32> to vector<16xf32>
      %add3A_837 = arith.addf %add3A_831, %get3A_836 : vector<16xf32>
      %add3A_838 = arith.constant 17536 : i32
      %add3A_839 = arith.addi %add3A_838, %multiple_of3A : i32
      %get3A_840 = arith.index_cast %add3A_839 : i32 to index
      %get3A_841 = tpu.vector_load %arg7[%get3A_840] {strides = array<i32>} : memref<25600xf32, #tpu.memory_space<vmem>>, vector<16xf32>,
      %get3A_842 = vector.shape_cast %get3A_841 : vector<16xf32> to vector<16xf32>
      %add3A_843 = arith.addf %add3A_837, %get3A_842 : vector<16xf32>
      %add3A_844 = arith.constant 17664 : i32
      %add3A_845 = arith.addi %add3A_844, %multiple_of3A : i32
      %get3A_846 = arith.index_cast %add3A_845 : i32 to index
      %get3A_847 = tpu.vector_load %arg7[%get3A_846] {strides = array<i32>} : memref<25600xf32, #tpu.memory_space<vmem>>, vector<16xf32>,
      %get3A_848 = vector.shape_cast %get3A_847 : vector<16xf32> to vector<16xf32>
      %add3A_849 = arith.addf %add3A_843, %get3A_848 : vector<16xf32>
      %add3A_850 = arith.constant 17792 : i32
      %add3A_851 = arith.addi %add3A_850, %multiple_of3A : i32
      %get3A_852 = arith.index_cast %add3A_851 : i32 to index
      %get3A_853 = tpu.vector_load %arg7[%get3A_852] {strides = array<i32>} : memref<25600xf32, #tpu.memory_space<vmem>>, vector<16xf32>,
      %get3A_854 = vector.shape_cast %get3A_853 : vector<16xf32> to vector<16xf32>
      %add3A_855 = arith.addf %add3A_849, %get3A_854 : vector<16xf32>
      %add3A_856 = arith.constant 17920 : i32
      %add3A_857 = arith.addi %add3A_856, %multiple_of3A : i32
      %get3A_858 = arith.index_cast %add3A_857 : i32 to index
      %get3A_859 = tpu.vector_load %arg7[%get3A_858] {strides = array<i32>} : memref<25600xf32, #tpu.memory_space<vmem>>, vector<16xf32>,
      %get3A_860 = vector.shape_cast %get3A_859 : vector<16xf32> to vector<16xf32>
      %add3A_861 = arith.addf %add3A_855, %get3A_860 : vector<16xf32>
      %add3A_862 = arith.constant 18048 : i32
      %add3A_863 = arith.addi %add3A_862, %multiple_of3A : i32
      %get3A_864 = arith.index_cast %add3A_863 : i32 to index
      %get3A_865 = tpu.vector_load %arg7[%get3A_864] {strides = array<i32>} : memref<25600xf32, #tpu.memory_space<vmem>>, vector<16xf32>,
      %get3A_866 = vector.shape_cast %get3A_865 : vector<16xf32> to vector<16xf32>
      %add3A_867 = arith.addf %add3A_861, %get3A_866 : vector<16xf32>
      %add3A_868 = arith.constant 18176 : i32
      %add3A_869 = arith.addi %add3A_868, %multiple_of3A : i32
      %get3A_870 = arith.index_cast %add3A_869 : i32 to index
      %get3A_871 = tpu.vector_load %arg7[%get3A_870] {strides = array<i32>} : memref<25600xf32, #tpu.memory_space<vmem>>, vector<16xf32>,
      %get3A_872 = vector.shape_cast %get3A_871 : vector<16xf32> to vector<16xf32>
      %add3A_873 = arith.addf %add3A_867, %get3A_872 : vector<16xf32>
      %add3A_874 = arith.constant 18304 : i32
      %add3A_875 = arith.addi %add3A_874, %multiple_of3A : i32
      %get3A_876 = arith.index_cast %add3A_875 : i32 to index
      %get3A_877 = tpu.vector_load %arg7[%get3A_876] {strides = array<i32>} : memref<25600xf32, #tpu.memory_space<vmem>>, vector<16xf32>,
      %get3A_878 = vector.shape_cast %get3A_877 : vector<16xf32> to vector<16xf32>
      %add3A_879 = arith.addf %add3A_873, %get3A_878 : vector<16xf32>
      %add3A_880 = arith.constant 18432 : i32
      %add3A_881 = arith.addi %add3A_880, %multiple_of3A : i32
      %get3A_882 = arith.index_cast %add3A_881 : i32 to index
      %get3A_883 = tpu.vector_load %arg7[%get3A_882] {strides = array<i32>} : memref<25600xf32, #tpu.memory_space<vmem>>, vector<16xf32>,
      %get3A_884 = vector.shape_cast %get3A_883 : vector<16xf32> to vector<16xf32>
      %add3A_885 = arith.addf %add3A_879, %get3A_884 : vector<16xf32>
      %add3A_886 = arith.constant 18560 : i32
      %add3A_887 = arith.addi %add3A_886, %multiple_of3A : i32
      %get3A_888 = arith.index_cast %add3A_887 : i32 to index
      %get3A_889 = tpu.vector_load %arg7[%get3A_888] {strides = array<i32>} : memref<25600xf32, #tpu.memory_space<vmem>>, vector<16xf32>,
      %get3A_890 = vector.shape_cast %get3A_889 : vector<16xf32> to vector<16xf32>
      %add3A_891 = arith.addf %add3A_885, %get3A_890 : vector<16xf32>
      %add3A_892 = arith.constant 18688 : i32
      %add3A_893 = arith.addi %add3A_892, %multiple_of3A : i32
      %get3A_894 = arith.index_cast %add3A_893 : i32 to index
      %get3A_895 = tpu.vector_load %arg7[%get3A_894] {strides = array<i32>} : memref<25600xf32, #tpu.memory_space<vmem>>, vector<16xf32>,
      %get3A_896 = vector.shape_cast %get3A_895 : vector<16xf32> to vector<16xf32>
      %add3A_897 = arith.addf %add3A_891, %get3A_896 : vector<16xf32>
      %add3A_898 = arith.constant 18816 : i32
      %add3A_899 = arith.addi %add3A_898, %multiple_of3A : i32
      %get3A_900 = arith.index_cast %add3A_899 : i32 to index
      %get3A_901 = tpu.vector_load %arg7[%get3A_900] {strides = array<i32>} : memref<25600xf32, #tpu.memory_space<vmem>>, vector<16xf32>,
      %get3A_902 = vector.shape_cast %get3A_901 : vector<16xf32> to vector<16xf32>
      %add3A_903 = arith.addf %add3A_897, %get3A_902 : vector<16xf32>
      %add3A_904 = arith.constant 18944 : i32
      %add3A_905 = arith.addi %add3A_904, %multiple_of3A : i32
      %get3A_906 = arith.index_cast %add3A_905 : i32 to index
      %get3A_907 = tpu.vector_load %arg7[%get3A_906] {strides = array<i32>} : memref<25600xf32, #tpu.memory_space<vmem>>, vector<16xf32>,
      %get3A_908 = vector.shape_cast %get3A_907 : vector<16xf32> to vector<16xf32>
      %add3A_909 = arith.addf %add3A_903, %get3A_908 : vector<16xf32>
      %add3A_910 = arith.constant 19072 : i32
      %add3A_911 = arith.addi %add3A_910, %multiple_of3A : i32
      %get3A_912 = arith.index_cast %add3A_911 : i32 to index
      %get3A_913 = tpu.vector_load %arg7[%get3A_912] {strides = array<i32>} : memref<25600xf32, #tpu.memory_space<vmem>>, vector<16xf32>,
      %get3A_914 = vector.shape_cast %get3A_913 : vector<16xf32> to vector<16xf32>
      %add3A_915 = arith.addf %add3A_909, %get3A_914 : vector<16xf32>
      %add3A_916 = arith.constant 19200 : i32
      %add3A_917 = arith.addi %add3A_916, %multiple_of3A : i32
      %get3A_918 = arith.index_cast %add3A_917 : i32 to index
      %get3A_919 = tpu.vector_load %arg7[%get3A_918] {strides = array<i32>} : memref<25600xf32, #tpu.memory_space<vmem>>, vector<16xf32>,
      %get3A_920 = vector.shape_cast %get3A_919 : vector<16xf32> to vector<16xf32>
      %add3A_921 = arith.addf %add3A_915, %get3A_920 : vector<16xf32>
      %add3A_922 = arith.constant 19328 : i32
      %add3A_923 = arith.addi %add3A_922, %multiple_of3A : i32
      %get3A_924 = arith.index_cast %add3A_923 : i32 to index
      %get3A_925 = tpu.vector_load %arg7[%get3A_924] {strides = array<i32>} : memref<25600xf32, #tpu.memory_space<vmem>>, vector<16xf32>,
      %get3A_926 = vector.shape_cast %get3A_925 : vector<16xf32> to vector<16xf32>
      %add3A_927 = arith.addf %add3A_921, %get3A_926 : vector<16xf32>
      %add3A_928 = arith.constant 19456 : i32
      %add3A_929 = arith.addi %add3A_928, %multiple_of3A : i32
      %get3A_930 = arith.index_cast %add3A_929 : i32 to index
      %get3A_931 = tpu.vector_load %arg7[%get3A_930] {strides = array<i32>} : memref<25600xf32, #tpu.memory_space<vmem>>, vector<16xf32>,
      %get3A_932 = vector.shape_cast %get3A_931 : vector<16xf32> to vector<16xf32>
      %add3A_933 = arith.addf %add3A_927, %get3A_932 : vector<16xf32>
      %add3A_934 = arith.constant 19584 : i32
      %add3A_935 = arith.addi %add3A_934, %multiple_of3A : i32
      %get3A_936 = arith.index_cast %add3A_935 : i32 to index
      %get3A_937 = tpu.vector_load %arg7[%get3A_936] {strides = array<i32>} : memref<25600xf32, #tpu.memory_space<vmem>>, vector<16xf32>,
      %get3A_938 = vector.shape_cast %get3A_937 : vector<16xf32> to vector<16xf32>
      %add3A_939 = arith.addf %add3A_933, %get3A_938 : vector<16xf32>
      %add3A_940 = arith.constant 19712 : i32
      %add3A_941 = arith.addi %add3A_940, %multiple_of3A : i32
      %get3A_942 = arith.index_cast %add3A_941 : i32 to index
      %get3A_943 = tpu.vector_load %arg7[%get3A_942] {strides = array<i32>} : memref<25600xf32, #tpu.memory_space<vmem>>, vector<16xf32>,
      %get3A_944 = vector.shape_cast %get3A_943 : vector<16xf32> to vector<16xf32>
      %add3A_945 = arith.addf %add3A_939, %get3A_944 : vector<16xf32>
      %add3A_946 = arith.constant 19840 : i32
      %add3A_947 = arith.addi %add3A_946, %multiple_of3A : i32
      %get3A_948 = arith.index_cast %add3A_947 : i32 to index
      %get3A_949 = tpu.vector_load %arg7[%get3A_948] {strides = array<i32>} : memref<25600xf32, #tpu.memory_space<vmem>>, vector<16xf32>,
      %get3A_950 = vector.shape_cast %get3A_949 : vector<16xf32> to vector<16xf32>
      %add3A_951 = arith.addf %add3A_945, %get3A_950 : vector<16xf32>
      %add3A_952 = arith.constant 19968 : i32
      %add3A_953 = arith.addi %add3A_952, %multiple_of3A : i32
      %get3A_954 = arith.index_cast %add3A_953 : i32 to index
      %get3A_955 = tpu.vector_load %arg7[%get3A_954] {strides = array<i32>} : memref<25600xf32, #tpu.memory_space<vmem>>, vector<16xf32>,
      %get3A_956 = vector.shape_cast %get3A_955 : vector<16xf32> to vector<16xf32>
      %add3A_957 = arith.addf %add3A_951, %get3A_956 : vector<16xf32>
      %add3A_958 = arith.constant 20096 : i32
      %add3A_959 = arith.addi %add3A_958, %multiple_of3A : i32
      %get3A_960 = arith.index_cast %add3A_959 : i32 to index
      %get3A_961 = tpu.vector_load %arg7[%get3A_960] {strides = array<i32>} : memref<25600xf32, #tpu.memory_space<vmem>>, vector<16xf32>,
      %get3A_962 = vector.shape_cast %get3A_961 : vector<16xf32> to vector<16xf32>
      %add3A_963 = arith.addf %add3A_957, %get3A_962 : vector<16xf32>
      %add3A_964 = arith.constant 20224 : i32
      %add3A_965 = arith.addi %add3A_964, %multiple_of3A : i32
      %get3A_966 = arith.index_cast %add3A_965 : i32 to index
      %get3A_967 = tpu.vector_load %arg7[%get3A_966] {strides = array<i32>} : memref<25600xf32, #tpu.memory_space<vmem>>, vector<16xf32>,
      %get3A_968 = vector.shape_cast %get3A_967 : vector<16xf32> to vector<16xf32>
      %add3A_969 = arith.addf %add3A_963, %get3A_968 : vector<16xf32>
      %add3A_970 = arith.constant 20352 : i32
      %add3A_971 = arith.addi %add3A_970, %multiple_of3A : i32
      %get3A_972 = arith.index_cast %add3A_971 : i32 to index
      %get3A_973 = tpu.vector_load %arg7[%get3A_972] {strides = array<i32>} : memref<25600xf32, #tpu.memory_space<vmem>>, vector<16xf32>,
      %get3A_974 = vector.shape_cast %get3A_973 : vector<16xf32> to vector<16xf32>
      %add3A_975 = arith.addf %add3A_969, %get3A_974 : vector<16xf32>
      %add3A_976 = arith.constant 20480 : i32
      %add3A_977 = arith.addi %add3A_976, %multiple_of3A : i32
      %get3A_978 = arith.index_cast %add3A_977 : i32 to index
      %get3A_979 = tpu.vector_load %arg7[%get3A_978] {strides = array<i32>} : memref<25600xf32, #tpu.memory_space<vmem>>, vector<16xf32>,
      %get3A_980 = vector.shape_cast %get3A_979 : vector<16xf32> to vector<16xf32>
      %add3A_981 = arith.addf %add3A_975, %get3A_980 : vector<16xf32>
      %add3A_982 = arith.constant 20608 : i32
      %add3A_983 = arith.addi %add3A_982, %multiple_of3A : i32
      %get3A_984 = arith.index_cast %add3A_983 : i32 to index
      %get3A_985 = tpu.vector_load %arg7[%get3A_984] {strides = array<i32>} : memref<25600xf32, #tpu.memory_space<vmem>>, vector<16xf32>,
      %get3A_986 = vector.shape_cast %get3A_985 : vector<16xf32> to vector<16xf32>
      %add3A_987 = arith.addf %add3A_981, %get3A_986 : vector<16xf32>
      %add3A_988 = arith.constant 20736 : i32
      %add3A_989 = arith.addi %add3A_988, %multiple_of3A : i32
      %get3A_990 = arith.index_cast %add3A_989 : i32 to index
      %get3A_991 = tpu.vector_load %arg7[%get3A_990] {strides = array<i32>} : memref<25600xf32, #tpu.memory_space<vmem>>, vector<16xf32>,
      %get3A_992 = vector.shape_cast %get3A_991 : vector<16xf32> to vector<16xf32>
      %add3A_993 = arith.addf %add3A_987, %get3A_992 : vector<16xf32>
      %add3A_994 = arith.constant 20864 : i32
      %add3A_995 = arith.addi %add3A_994, %multiple_of3A : i32
      %get3A_996 = arith.index_cast %add3A_995 : i32 to index
      %get3A_997 = tpu.vector_load %arg7[%get3A_996] {strides = array<i32>} : memref<25600xf32, #tpu.memory_space<vmem>>, vector<16xf32>,
      %get3A_998 = vector.shape_cast %get3A_997 : vector<16xf32> to vector<16xf32>
      %add3A_999 = arith.addf %add3A_993, %get3A_998 : vector<16xf32>
      %add3A_1000 = arith.constant 20992 : i32
      %add3A_1001 = arith.addi %add3A_1000, %multiple_of3A : i32
      %get3A_1002 = arith.index_cast %add3A_1001 : i32 to index
      %get3A_1003 = tpu.vector_load %arg7[%get3A_1002] {strides = array<i32>} : memref<25600xf32, #tpu.memory_space<vmem>>, vector<16xf32>,
      %get3A_1004 = vector.shape_cast %get3A_1003 : vector<16xf32> to vector<16xf32>
      %add3A_1005 = arith.addf %add3A_999, %get3A_1004 : vector<16xf32>
      %add3A_1006 = arith.constant 21120 : i32
      %add3A_1007 = arith.addi %add3A_1006, %multiple_of3A : i32
      %get3A_1008 = arith.index_cast %add3A_1007 : i32 to index
      %get3A_1009 = tpu.vector_load %arg7[%get3A_1008] {strides = array<i32>} : memref<25600xf32, #tpu.memory_space<vmem>>, vector<16xf32>,
      %get3A_1010 = vector.shape_cast %get3A_1009 : vector<16xf32> to vector<16xf32>
      %add3A_1011 = arith.addf %add3A_1005, %get3A_1010 : vector<16xf32>
      %add3A_1012 = arith.constant 21248 : i32
      %add3A_1013 = arith.addi %add3A_1012, %multiple_of3A : i32
      %get3A_1014 = arith.index_cast %add3A_1013 : i32 to index
      %get3A_1015 = tpu.vector_load %arg7[%get3A_1014] {strides = array<i32>} : memref<25600xf32, #tpu.memory_space<vmem>>, vector<16xf32>,
      %get3A_1016 = vector.shape_cast %get3A_1015 : vector<16xf32> to vector<16xf32>
      %add3A_1017 = arith.addf %add3A_1011, %get3A_1016 : vector<16xf32>
      %add3A_1018 = arith.constant 21376 : i32
      %add3A_1019 = arith.addi %add3A_1018, %multiple_of3A : i32
      %get3A_1020 = arith.index_cast %add3A_1019 : i32 to index
      %get3A_1021 = tpu.vector_load %arg7[%get3A_1020] {strides = array<i32>} : memref<25600xf32, #tpu.memory_space<vmem>>, vector<16xf32>,
      %get3A_1022 = vector.shape_cast %get3A_1021 : vector<16xf32> to vector<16xf32>
      %add3A_1023 = arith.addf %add3A_1017, %get3A_1022 : vector<16xf32>
      %add3A_1024 = arith.constant 21504 : i32
      %add3A_1025 = arith.addi %add3A_1024, %multiple_of3A : i32
      %get3A_1026 = arith.index_cast %add3A_1025 : i32 to index
      %get3A_1027 = tpu.vector_load %arg7[%get3A_1026] {strides = array<i32>} : memref<25600xf32, #tpu.memory_space<vmem>>, vector<16xf32>,
      %get3A_1028 = vector.shape_cast %get3A_1027 : vector<16xf32> to vector<16xf32>
      %add3A_1029 = arith.addf %add3A_1023, %get3A_1028 : vector<16xf32>
      %add3A_1030 = arith.constant 21632 : i32
      %add3A_1031 = arith.addi %add3A_1030, %multiple_of3A : i32
      %get3A_1032 = arith.index_cast %add3A_1031 : i32 to index
      %get3A_1033 = tpu.vector_load %arg7[%get3A_1032] {strides = array<i32>} : memref<25600xf32, #tpu.memory_space<vmem>>, vector<16xf32>,
      %get3A_1034 = vector.shape_cast %get3A_1033 : vector<16xf32> to vector<16xf32>
      %add3A_1035 = arith.addf %add3A_1029, %get3A_1034 : vector<16xf32>
      %add3A_1036 = arith.constant 21760 : i32
      %add3A_1037 = arith.addi %add3A_1036, %multiple_of3A : i32
      %get3A_1038 = arith.index_cast %add3A_1037 : i32 to index
      %get3A_1039 = tpu.vector_load %arg7[%get3A_1038] {strides = array<i32>} : memref<25600xf32, #tpu.memory_space<vmem>>, vector<16xf32>,
      %get3A_1040 = vector.shape_cast %get3A_1039 : vector<16xf32> to vector<16xf32>
      %add3A_1041 = arith.addf %add3A_1035, %get3A_1040 : vector<16xf32>
      %add3A_1042 = arith.constant 21888 : i32
      %add3A_1043 = arith.addi %add3A_1042, %multiple_of3A : i32
      %get3A_1044 = arith.index_cast %add3A_1043 : i32 to index
      %get3A_1045 = tpu.vector_load %arg7[%get3A_1044] {strides = array<i32>} : memref<25600xf32, #tpu.memory_space<vmem>>, vector<16xf32>,
      %get3A_1046 = vector.shape_cast %get3A_1045 : vector<16xf32> to vector<16xf32>
      %add3A_1047 = arith.addf %add3A_1041, %get3A_1046 : vector<16xf32>
      %add3A_1048 = arith.constant 22016 : i32
      %add3A_1049 = arith.addi %add3A_1048, %multiple_of3A : i32
      %get3A_1050 = arith.index_cast %add3A_1049 : i32 to index
      %get3A_1051 = tpu.vector_load %arg7[%get3A_1050] {strides = array<i32>} : memref<25600xf32, #tpu.memory_space<vmem>>, vector<16xf32>,
      %get3A_1052 = vector.shape_cast %get3A_1051 : vector<16xf32> to vector<16xf32>
      %add3A_1053 = arith.addf %add3A_1047, %get3A_1052 : vector<16xf32>
      %add3A_1054 = arith.constant 22144 : i32
      %add3A_1055 = arith.addi %add3A_1054, %multiple_of3A : i32
      %get3A_1056 = arith.index_cast %add3A_1055 : i32 to index
      %get3A_1057 = tpu.vector_load %arg7[%get3A_1056] {strides = array<i32>} : memref<25600xf32, #tpu.memory_space<vmem>>, vector<16xf32>,
      %get3A_1058 = vector.shape_cast %get3A_1057 : vector<16xf32> to vector<16xf32>
      %add3A_1059 = arith.addf %add3A_1053, %get3A_1058 : vector<16xf32>
      %add3A_1060 = arith.constant 22272 : i32
      %add3A_1061 = arith.addi %add3A_1060, %multiple_of3A : i32
      %get3A_1062 = arith.index_cast %add3A_1061 : i32 to index
      %get3A_1063 = tpu.vector_load %arg7[%get3A_1062] {strides = array<i32>} : memref<25600xf32, #tpu.memory_space<vmem>>, vector<16xf32>,
      %get3A_1064 = vector.shape_cast %get3A_1063 : vector<16xf32> to vector<16xf32>
      %add3A_1065 = arith.addf %add3A_1059, %get3A_1064 : vector<16xf32>
      %add3A_1066 = arith.constant 22400 : i32
      %add3A_1067 = arith.addi %add3A_1066, %multiple_of3A : i32
      %get3A_1068 = arith.index_cast %add3A_1067 : i32 to index
      %get3A_1069 = tpu.vector_load %arg7[%get3A_1068] {strides = array<i32>} : memref<25600xf32, #tpu.memory_space<vmem>>, vector<16xf32>,
      %get3A_1070 = vector.shape_cast %get3A_1069 : vector<16xf32> to vector<16xf32>
      %add3A_1071 = arith.addf %add3A_1065, %get3A_1070 : vector<16xf32>
      %add3A_1072 = arith.constant 22528 : i32
      %add3A_1073 = arith.addi %add3A_1072, %multiple_of3A : i32
      %get3A_1074 = arith.index_cast %add3A_1073 : i32 to index
      %get3A_1075 = tpu.vector_load %arg7[%get3A_1074] {strides = array<i32>} : memref<25600xf32, #tpu.memory_space<vmem>>, vector<16xf32>,
      %get3A_1076 = vector.shape_cast %get3A_1075 : vector<16xf32> to vector<16xf32>
      %add3A_1077 = arith.addf %add3A_1071, %get3A_1076 : vector<16xf32>
      %add3A_1078 = arith.constant 22656 : i32
      %add3A_1079 = arith.addi %add3A_1078, %multiple_of3A : i32
      %get3A_1080 = arith.index_cast %add3A_1079 : i32 to index
      %get3A_1081 = tpu.vector_load %arg7[%get3A_1080] {strides = array<i32>} : memref<25600xf32, #tpu.memory_space<vmem>>, vector<16xf32>,
      %get3A_1082 = vector.shape_cast %get3A_1081 : vector<16xf32> to vector<16xf32>
      %add3A_1083 = arith.addf %add3A_1077, %get3A_1082 : vector<16xf32>
      %add3A_1084 = arith.constant 22784 : i32
      %add3A_1085 = arith.addi %add3A_1084, %multiple_of3A : i32
      %get3A_1086 = arith.index_cast %add3A_1085 : i32 to index
      %get3A_1087 = tpu.vector_load %arg7[%get3A_1086] {strides = array<i32>} : memref<25600xf32, #tpu.memory_space<vmem>>, vector<16xf32>,
      %get3A_1088 = vector.shape_cast %get3A_1087 : vector<16xf32> to vector<16xf32>
      %add3A_1089 = arith.addf %add3A_1083, %get3A_1088 : vector<16xf32>
      %add3A_1090 = arith.constant 22912 : i32
      %add3A_1091 = arith.addi %add3A_1090, %multiple_of3A : i32
      %get3A_1092 = arith.index_cast %add3A_1091 : i32 to index
      %get3A_1093 = tpu.vector_load %arg7[%get3A_1092] {strides = array<i32>} : memref<25600xf32, #tpu.memory_space<vmem>>, vector<16xf32>,
      %get3A_1094 = vector.shape_cast %get3A_1093 : vector<16xf32> to vector<16xf32>
      %add3A_1095 = arith.addf %add3A_1089, %get3A_1094 : vector<16xf32>
      %add3A_1096 = arith.constant 23040 : i32
      %add3A_1097 = arith.addi %add3A_1096, %multiple_of3A : i32
      %get3A_1098 = arith.index_cast %add3A_1097 : i32 to index
      %get3A_1099 = tpu.vector_load %arg7[%get3A_1098] {strides = array<i32>} : memref<25600xf32, #tpu.memory_space<vmem>>, vector<16xf32>,
      %get3A_1100 = vector.shape_cast %get3A_1099 : vector<16xf32> to vector<16xf32>
      %add3A_1101 = arith.addf %add3A_1095, %get3A_1100 : vector<16xf32>
      %add3A_1102 = arith.constant 23168 : i32
      %add3A_1103 = arith.addi %add3A_1102, %multiple_of3A : i32
      %get3A_1104 = arith.index_cast %add3A_1103 : i32 to index
      %get3A_1105 = tpu.vector_load %arg7[%get3A_1104] {strides = array<i32>} : memref<25600xf32, #tpu.memory_space<vmem>>, vector<16xf32>,
      %get3A_1106 = vector.shape_cast %get3A_1105 : vector<16xf32> to vector<16xf32>
      %add3A_1107 = arith.addf %add3A_1101, %get3A_1106 : vector<16xf32>
      %add3A_1108 = arith.constant 23296 : i32
      %add3A_1109 = arith.addi %add3A_1108, %multiple_of3A : i32
      %get3A_1110 = arith.index_cast %add3A_1109 : i32 to index
      %get3A_1111 = tpu.vector_load %arg7[%get3A_1110] {strides = array<i32>} : memref<25600xf32, #tpu.memory_space<vmem>>, vector<16xf32>,
      %get3A_1112 = vector.shape_cast %get3A_1111 : vector<16xf32> to vector<16xf32>
      %add3A_1113 = arith.addf %add3A_1107, %get3A_1112 : vector<16xf32>
      %add3A_1114 = arith.constant 23424 : i32
      %add3A_1115 = arith.addi %add3A_1114, %multiple_of3A : i32
      %get3A_1116 = arith.index_cast %add3A_1115 : i32 to index
      %get3A_1117 = tpu.vector_load %arg7[%get3A_1116] {strides = array<i32>} : memref<25600xf32, #tpu.memory_space<vmem>>, vector<16xf32>,
      %get3A_1118 = vector.shape_cast %get3A_1117 : vector<16xf32> to vector<16xf32>
      %add3A_1119 = arith.addf %add3A_1113, %get3A_1118 : vector<16xf32>
      %add3A_1120 = arith.constant 23552 : i32
      %add3A_1121 = arith.addi %add3A_1120, %multiple_of3A : i32
      %get3A_1122 = arith.index_cast %add3A_1121 : i32 to index
      %get3A_1123 = tpu.vector_load %arg7[%get3A_1122] {strides = array<i32>} : memref<25600xf32, #tpu.memory_space<vmem>>, vector<16xf32>,
      %get3A_1124 = vector.shape_cast %get3A_1123 : vector<16xf32> to vector<16xf32>
      %add3A_1125 = arith.addf %add3A_1119, %get3A_1124 : vector<16xf32>
      %add3A_1126 = arith.constant 23680 : i32
      %add3A_1127 = arith.addi %add3A_1126, %multiple_of3A : i32
      %get3A_1128 = arith.index_cast %add3A_1127 : i32 to index
      %get3A_1129 = tpu.vector_load %arg7[%get3A_1128] {strides = array<i32>} : memref<25600xf32, #tpu.memory_space<vmem>>, vector<16xf32>,
      %get3A_1130 = vector.shape_cast %get3A_1129 : vector<16xf32> to vector<16xf32>
      %add3A_1131 = arith.addf %add3A_1125, %get3A_1130 : vector<16xf32>
      %add3A_1132 = arith.constant 23808 : i32
      %add3A_1133 = arith.addi %add3A_1132, %multiple_of3A : i32
      %get3A_1134 = arith.index_cast %add3A_1133 : i32 to index
      %get3A_1135 = tpu.vector_load %arg7[%get3A_1134] {strides = array<i32>} : memref<25600xf32, #tpu.memory_space<vmem>>, vector<16xf32>,
      %get3A_1136 = vector.shape_cast %get3A_1135 : vector<16xf32> to vector<16xf32>
      %add3A_1137 = arith.addf %add3A_1131, %get3A_1136 : vector<16xf32>
      %add3A_1138 = arith.constant 23936 : i32
      %add3A_1139 = arith.addi %add3A_1138, %multiple_of3A : i32
      %get3A_1140 = arith.index_cast %add3A_1139 : i32 to index
      %get3A_1141 = tpu.vector_load %arg7[%get3A_1140] {strides = array<i32>} : memref<25600xf32, #tpu.memory_space<vmem>>, vector<16xf32>,
      %get3A_1142 = vector.shape_cast %get3A_1141 : vector<16xf32> to vector<16xf32>
      %add3A_1143 = arith.addf %add3A_1137, %get3A_1142 : vector<16xf32>
      %add3A_1144 = arith.constant 24064 : i32
      %add3A_1145 = arith.addi %add3A_1144, %multiple_of3A : i32
      %get3A_1146 = arith.index_cast %add3A_1145 : i32 to index
      %get3A_1147 = tpu.vector_load %arg7[%get3A_1146] {strides = array<i32>} : memref<25600xf32, #tpu.memory_space<vmem>>, vector<16xf32>,
      %get3A_1148 = vector.shape_cast %get3A_1147 : vector<16xf32> to vector<16xf32>
      %add3A_1149 = arith.addf %add3A_1143, %get3A_1148 : vector<16xf32>
      %add3A_1150 = arith.constant 24192 : i32
      %add3A_1151 = arith.addi %add3A_1150, %multiple_of3A : i32
      %get3A_1152 = arith.index_cast %add3A_1151 : i32 to index
      %get3A_1153 = tpu.vector_load %arg7[%get3A_1152] {strides = array<i32>} : memref<25600xf32, #tpu.memory_space<vmem>>, vector<16xf32>,
      %get3A_1154 = vector.shape_cast %get3A_1153 : vector<16xf32> to vector<16xf32>
      %add3A_1155 = arith.addf %add3A_1149, %get3A_1154 : vector<16xf32>
      %add3A_1156 = arith.constant 24320 : i32
      %add3A_1157 = arith.addi %add3A_1156, %multiple_of3A : i32
      %get3A_1158 = arith.index_cast %add3A_1157 : i32 to index
      %get3A_1159 = tpu.vector_load %arg7[%get3A_1158] {strides = array<i32>} : memref<25600xf32, #tpu.memory_space<vmem>>, vector<16xf32>,
      %get3A_1160 = vector.shape_cast %get3A_1159 : vector<16xf32> to vector<16xf32>
      %add3A_1161 = arith.addf %add3A_1155, %get3A_1160 : vector<16xf32>
      %add3A_1162 = arith.constant 24448 : i32
      %add3A_1163 = arith.addi %add3A_1162, %multiple_of3A : i32
      %get3A_1164 = arith.index_cast %add3A_1163 : i32 to index
      %get3A_1165 = tpu.vector_load %arg7[%get3A_1164] {strides = array<i32>} : memref<25600xf32, #tpu.memory_space<vmem>>, vector<16xf32>,
      %get3A_1166 = vector.shape_cast %get3A_1165 : vector<16xf32> to vector<16xf32>
      %add3A_1167 = arith.addf %add3A_1161, %get3A_1166 : vector<16xf32>
      %add3A_1168 = arith.constant 24576 : i32
      %add3A_1169 = arith.addi %add3A_1168, %multiple_of3A : i32
      %get3A_1170 = arith.index_cast %add3A_1169 : i32 to index
      %get3A_1171 = tpu.vector_load %arg7[%get3A_1170] {strides = array<i32>} : memref<25600xf32, #tpu.memory_space<vmem>>, vector<16xf32>,
      %get3A_1172 = vector.shape_cast %get3A_1171 : vector<16xf32> to vector<16xf32>
      %add3A_1173 = arith.addf %add3A_1167, %get3A_1172 : vector<16xf32>
      %add3A_1174 = arith.constant 24704 : i32
      %add3A_1175 = arith.addi %add3A_1174, %multiple_of3A : i32
      %get3A_1176 = arith.index_cast %add3A_1175 : i32 to index
      %get3A_1177 = tpu.vector_load %arg7[%get3A_1176] {strides = array<i32>} : memref<25600xf32, #tpu.memory_space<vmem>>, vector<16xf32>,
      %get3A_1178 = vector.shape_cast %get3A_1177 : vector<16xf32> to vector<16xf32>
      %add3A_1179 = arith.addf %add3A_1173, %get3A_1178 : vector<16xf32>
      %add3A_1180 = arith.constant 24832 : i32
      %add3A_1181 = arith.addi %add3A_1180, %multiple_of3A : i32
      %get3A_1182 = arith.index_cast %add3A_1181 : i32 to index
      %get3A_1183 = tpu.vector_load %arg7[%get3A_1182] {strides = array<i32>} : memref<25600xf32, #tpu.memory_space<vmem>>, vector<16xf32>,
      %get3A_1184 = vector.shape_cast %get3A_1183 : vector<16xf32> to vector<16xf32>
      %add3A_1185 = arith.addf %add3A_1179, %get3A_1184 : vector<16xf32>
      %add3A_1186 = arith.constant 24960 : i32
      %add3A_1187 = arith.addi %add3A_1186, %multiple_of3A : i32
      %get3A_1188 = arith.index_cast %add3A_1187 : i32 to index
      %get3A_1189 = tpu.vector_load %arg7[%get3A_1188] {strides = array<i32>} : memref<25600xf32, #tpu.memory_space<vmem>>, vector<16xf32>,
      %get3A_1190 = vector.shape_cast %get3A_1189 : vector<16xf32> to vector<16xf32>
      %add3A_1191 = arith.addf %add3A_1185, %get3A_1190 : vector<16xf32>
      %add3A_1192 = arith.constant 25088 : i32
      %add3A_1193 = arith.addi %add3A_1192, %multiple_of3A : i32
      %get3A_1194 = arith.index_cast %add3A_1193 : i32 to index
      %get3A_1195 = tpu.vector_load %arg7[%get3A_1194] {strides = array<i32>} : memref<25600xf32, #tpu.memory_space<vmem>>, vector<16xf32>,
      %get3A_1196 = vector.shape_cast %get3A_1195 : vector<16xf32> to vector<16xf32>
      %add3A_1197 = arith.addf %add3A_1191, %get3A_1196 : vector<16xf32>
      %add3A_1198 = arith.constant 25216 : i32
      %add3A_1199 = arith.addi %add3A_1198, %multiple_of3A : i32
      %get3A_1200 = arith.index_cast %add3A_1199 : i32 to index
      %get3A_1201 = tpu.vector_load %arg7[%get3A_1200] {strides = array<i32>} : memref<25600xf32, #tpu.memory_space<vmem>>, vector<16xf32>,
      %get3A_1202 = vector.shape_cast %get3A_1201 : vector<16xf32> to vector<16xf32>
      %add3A_1203 = arith.addf %add3A_1197, %get3A_1202 : vector<16xf32>
      %add3A_1204 = arith.constant 25344 : i32
      %add3A_1205 = arith.addi %add3A_1204, %multiple_of3A : i32
      %get3A_1206 = arith.index_cast %add3A_1205 : i32 to index
      %get3A_1207 = tpu.vector_load %arg7[%get3A_1206] {strides = array<i32>} : memref<25600xf32, #tpu.memory_space<vmem>>, vector<16xf32>,
      %get3A_1208 = vector.shape_cast %get3A_1207 : vector<16xf32> to vector<16xf32>
      %add3A_1209 = arith.addf %add3A_1203, %get3A_1208 : vector<16xf32>
      %add3A_1210 = arith.constant 25472 : i32
      %add3A_1211 = arith.addi %add3A_1210, %multiple_of3A : i32
      %get3A_1212 = arith.index_cast %add3A_1211 : i32 to index
      %get3A_1213 = tpu.vector_load %arg7[%get3A_1212] {strides = array<i32>} : memref<25600xf32, #tpu.memory_space<vmem>>, vector<16xf32>,
      %get3A_1214 = vector.shape_cast %get3A_1213 : vector<16xf32> to vector<16xf32>
      %add3A_1215 = arith.addf %add3A_1209, %get3A_1214 : vector<16xf32>
      %mul3A_1216 = vector.broadcast %scan3A_11 : f32 to vector<16xf32>
      %mul3A_1217 = arith.mulf %add3A_1215, %mul3A_1216 : vector<16xf32>
      %swap3A = arith.index_cast %multiple_of3A : i32 to index
      %swap3A_1218 = tpu.vector_load %arg8[%swap3A] {strides = array<i32>} : memref<128xf32, #tpu.memory_space<vmem>>, vector<16xf32>,
      %swap3A_1219 = vector.shape_cast %swap3A_1218 : vector<16xf32> to vector<16xf32>
      %swap3A_1220 = vector.shape_cast %mul3A_1217 : vector<16xf32> to vector<16xf32>
      tpu.vector_store %arg8[%swap3A], %swap3A_1220 {strides = array<i32>} : memref<128xf32, #tpu.memory_space<vmem>>, vector<16xf32>,
    }
    %scan3A_16 = arith.constant 8 : i32
    "tpu.region"() ({
      %run_scoped3A = tpu.sem_alloc : memref<!tpu.dma_semaphore, #tpu.memory_space<semaphore_mem>>
      %dma_start3A_17 = tpu.memref_slice %arg4[%mul3A_2] : memref<4096xf32, #tpu.memory_space<hbm>> -> memref<128xf32, #tpu.memory_space<hbm>>
      %dma_start3A_18 = tpu.memref_slice %arg4[%mul3A_2] : memref<4096xf32, #tpu.memory_space<hbm>> -> memref<128xf32, #tpu.memory_space<hbm>>
      tpu.enqueue_dma source(%arg8 : memref<128xf32, #tpu.memory_space<vmem>>) target(%dma_start3A_18 : memref<128xf32, #tpu.memory_space<hbm>>) target_semaphore(%run_scoped3A : memref<!tpu.dma_semaphore, #tpu.memory_space<semaphore_mem>>)
      %dma_wait3A_19 = tpu.memref_slice %arg4[%mul3A_2] : memref<4096xf32, #tpu.memory_space<hbm>> -> memref<128xf32, #tpu.memory_space<hbm>>
      %dma_wait3A_20 = tpu.memref_slice %arg4[%mul3A_2] : memref<4096xf32, #tpu.memory_space<hbm>> -> memref<128xf32, #tpu.memory_space<hbm>>
      tpu.wait_dma2 semaphore(%run_scoped3A : memref<!tpu.dma_semaphore, #tpu.memory_space<semaphore_mem>>) src(%arg8 : memref<128xf32, #tpu.memory_space<vmem>>) dst(%dma_wait3A_20 : memref<128xf32, #tpu.memory_space<hbm>>)
      tpu.yield
    }) : () -> ()
    return
  }
}

module attributes {stable_mosaic.version = 14 : i64} {
  func.func @_table_body(%arg0: i32, %arg1: memref<64x32768xf32, #tpu.memory_space<vmem>>, %arg2: memref<32x65xf32, #tpu.memory_space<vmem>>, %arg3: memref<1x32xf32, #tpu.memory_space<vmem>>, %arg4: memref<1x1xf32, #tpu.memory_space<smem>>, %arg5: memref<32768xf32, #tpu.memory_space<vmem>>) attributes {dimension_semantics = [#tpu.dimension_semantics<arbitrary>], iteration_bounds = array<i64: 31>, scalar_prefetch = 0 : i64, scratch_operands = 0 : i64, tpu.core_type = #tpu.core_type<tc>, window_params = [{transform_indices = @transform_0, window_bounds = array<i64: 64, 32768>}, {pipeline_mode = #tpu.pipeline_mode<synchronous>, transform_indices = @transform_1, window_bounds = array<i64: 32, 65>}, {pipeline_mode = #tpu.pipeline_mode<synchronous>, transform_indices = @transform_2, window_bounds = array<i64: 1, 32>}, {transform_indices = @transform_3, window_bounds = array<i64: 1, 1>}, {transform_indices = @transform_4, window_bounds = array<i64: 32768>}]} {
    %get3A = arith.constant 0 : index
    %get3A_0 = arith.constant 0 : index
    %get3A_1 = vector.load %arg1[%get3A, %get3A_0] : memref<64x32768xf32, #tpu.memory_space<vmem>>, vector<64x32768xf32>
    %broadcast_in_dim3A = arith.constant 1.000000e+00 : f32
    %broadcast_in_dim3A_2 = vector.broadcast %broadcast_in_dim3A : f32 to vector<1x32768xf32>
    %concatenate3A = tpu.concatenate %get3A_1, %broadcast_in_dim3A_2 in 0 : vector<64x32768xf32>, vector<1x32768xf32> -> vector<65x32768xf32>
    %get3A_3 = arith.constant 0 : index
    %get3A_4 = arith.constant 0 : index
    %get3A_5 = vector.load %arg2[%get3A_3, %get3A_4] : memref<32x65xf32, #tpu.memory_space<vmem>>, vector<32x65xf32>
    %dot_general3A = arith.constant dense<0.000000e+00> : vector<32x32768xf32>
    %dot_general3A_6 = tpu.matmul %get3A_5, %concatenate3A, %dot_general3A {dimension_numbers = #tpu.dot_dimension_numbers<[1], [0], [0], [1], [0, 0, 1, 1], [], []>, transpose_lhs_hint = false} : vector<32x65xf32>, vector<65x32768xf32>, vector<32x32768xf32> -> vector<32x32768xf32>
    %max3A = arith.constant 0.000000e+00 : f32
    %max3A_7 = vector.broadcast %max3A : f32 to vector<32x32768xf32>
    %max3A_8 = arith.maximumf %dot_general3A_6, %max3A_7 : vector<32x32768xf32>
    %get3A_9 = arith.constant 0 : index
    %get3A_10 = arith.constant 0 : index
    %get3A_11 = vector.load %arg3[%get3A_9, %get3A_10] : memref<1x32xf32, #tpu.memory_space<vmem>>, vector<1x32xf32>
    %dot_general3A_12 = arith.constant dense<0.000000e+00> : vector<1x32768xf32>
    %dot_general3A_13 = tpu.matmul %get3A_11, %max3A_8, %dot_general3A_12 {dimension_numbers = #tpu.dot_dimension_numbers<[1], [0], [0], [1], [0, 0, 1, 1], [], []>, transpose_lhs_hint = false} : vector<1x32xf32>, vector<32x32768xf32>, vector<1x32768xf32> -> vector<1x32768xf32>
    %get3A_14 = arith.constant 0 : index
    %get3A_15 = arith.constant 0 : index
    %get3A_16 = memref.load %arg4[%get3A_14, %get3A_15] : memref<1x1xf32, #tpu.memory_space<smem>>
    %add3A = vector.broadcast %get3A_16 : f32 to vector<1x32768xf32>
    %add3A_17 = arith.addf %dot_general3A_13, %add3A : vector<1x32768xf32>
    %logistic3A = arith.negf %add3A_17 : vector<1x32768xf32>
    %logistic3A_18 = math.exp %logistic3A : vector<1x32768xf32>
    %logistic3A_19 = arith.constant 1.000000e+00 : f32
    %logistic3A_20 = vector.broadcast %logistic3A_19 : f32 to vector<1x32768xf32>
    %logistic3A_21 = arith.addf %logistic3A_20, %logistic3A_18 : vector<1x32768xf32>
    %logistic3A_22 = arith.divf %logistic3A_20, %logistic3A_21 : vector<1x32768xf32>
    %reshape3A = vector.shape_cast %logistic3A_22 : vector<1x32768xf32> to vector<32768xf32>
    %swap3A = arith.constant 0 : index
    %swap3A_23 = vector.load %arg5[%swap3A] : memref<32768xf32, #tpu.memory_space<vmem>>, vector<32768xf32>
    tpu.vector_store %arg5[%swap3A], %reshape3A {strides = array<i32>} : memref<32768xf32, #tpu.memory_space<vmem>>, vector<32768xf32>,
    return
  }
  func.func @transform_0(%arg0: i32) -> (i32, i32) {
    %c0_i32 = arith.constant 0 : i32
    %c0_i32_0 = arith.constant 0 : i32
    return %c0_i32, %arg0 : i32, i32
  }
  func.func @transform_1(%arg0: i32) -> (i32, i32) {
    %c0_i32 = arith.constant 0 : i32
    %c0_i32_0 = arith.constant 0 : i32
    %c0_i32_1 = arith.constant 0 : i32
    return %c0_i32, %c0_i32_0 : i32, i32
  }
  func.func @transform_2(%arg0: i32) -> (i32, i32) {
    %c0_i32 = arith.constant 0 : i32
    %c0_i32_0 = arith.constant 0 : i32
    %c0_i32_1 = arith.constant 0 : i32
    return %c0_i32, %c0_i32_0 : i32, i32
  }
  func.func @transform_3(%arg0: i32) -> (i32, i32) {
    %c0_i32 = arith.constant 0 : i32
    %c0_i32_0 = arith.constant 0 : i32
    %c0_i32_1 = arith.constant 0 : i32
    return %c0_i32, %c0_i32_0 : i32, i32
  }
  func.func @transform_4(%arg0: i32) -> i32 {
    %c0_i32 = arith.constant 0 : i32
    return %arg0 : i32
  }
}

</mosaic_0001>

<sc_bundles>
// kernel: kernel.4.cloned.1.call-start
scs
__scs_entry_jumppad:
0x0: {  	(pc) =	sbr.rel $0x88, $3  }
0x1: {  	(tag) =	ssettag $0x0;
	lr =	simm.s32 $0x1  }
0x2: {  	[smem:$0x3F9B] =	sst lr;
	_ =	strace $0xD0000000  }
0x3: {  	_ = 	snop  }
0x4: {  	_ = 	snop  }
0x5: {  	_ = 	snop  }
0x6: {  	_ = 	snop  }
0x7: {  	_ = 	snop  }
__scs_overlays_trampoline_lowered:
0x8: {  	[smem:$0x3FAA] =	sst s0  }
0x9: {  	[smem:$0x3FAB] =	sst s1  }
0xa: {  	[smem:$0x3FAC] =	sst s2  }
0xb: {  	[smem:$0x3FAD] =	sst s3  }
0xc: {  	[smem:$0x3FAE] =	sst s4  }
0xd: {  	[smem:$0x3FAF] =	sst s5  }
0xe: {  	[smem:$0x3FB0] =	sst s6  }
0xf: {  	[smem:$0x3FB1] =	sst s7  }
0x10: {  	[smem:$0x3FB2] =	sst s8  }
0x11: {  	[smem:$0x3FB3] =	sst s9;
	s0 =	simm.s32 @!p0 $0x0  }
0x12: {  	s1 =	sld [smem:$0x3F99];
	s0 =	simm.s32 @p0 $0x1  }
0x13: {  	[smem:$0x3FB4] =	sst s0;
	s0 =	simm.s32 @!p1 $0x0  }
0x14: {  	s2 =	sld [smem:$0x3F98];
	s0 =	simm.s32 @p1 $0x1  }
0x15: {  	[smem:$0x3FB5] =	sst s0;
	s0 =	simm.s32 @!p2 $0x0  }
0x16: {  	s3 =	sld [smem:$0x3FDB];
	s0 =	simm.s32 @p2 $0x1  }
0x17: {  	s4 =	simm.s32 $0x1BF5;
	[smem:$0x3FB7] =	sst s0  }
0x18: {  	s0 =	sld [smem:$0x3F9A];
	_ =	swait.ge [sflag:s4], $0x0  }
0x19: {  	s7 =	sld [smem:$0x3F9B]  }
0x1a: {  	s8 =	sadd.s32 $0xFFFFE003, lr  }
0x1b: {  	s9 =	sadd.s32 $0xFFFFFEF7, lr;
	s5 =	simm.s32 $0xFFFFFFFF;
	p2 =	slt.u32 s8, $0xFFFFF086  }
0x1c: {  	p1 =	slt.u32 s9, $0xF7A;
	s5 =	simm.s32 @!p2 $0x0  }
0x1d: {  	s5 =	simm.s32 @p1 $0x1;
	p0 =	seq.s32 s7, s2  }
0x1e: {  	s7 =	smul.u32 @!p0 $0xF7A, s2;
	p2 =	seq.s32 @!p0 s5, $0x0  }
0x1f: {  	s9 =	smul.u32 $0xF7A, s1;
	s8 =	simm.s32 @!p0 $0x1BF5;
	p2 =	por !p2, p0  }
0x20: {  	[sflag:s8] =	ssyncset.s32 @!p0 $0xFFFFF086;
	s6 =	sadd.s32 @!p0 s3, s7;
	s7 =	simm.s32 @!p0 $0x108  }
0x21: {  	s3 =	sadd.s32 s3, s9;
	s6 =	sadd.s32 @!p0 $0x88, s6;
	s7 =	simm.s32 @p2 $0x1082  }
0x22: {  	[simem:s7], [sflag:s8] =	dma.local @!p0 [hbm:s6], $0xF7A  }
0x23: {  	s9 =	sor.u32 $0xD0000000, s2;
	s6 =	simm.s32 $0x108;
	_ =	swait.ge @!p0 [sflag:s8], $0x0  }
0x24: {  	s3 =	sadd.s32 $0x88, s3;
	s6 =	simm.s32 @!p1 $0x1082;
	[sflag:s4] =	ssyncset.s32 $0xFFFFF086  }
0x25: {  	[simem:s6], [sflag:s4] =	dma.local [hbm:s3], $0xF7A  }
0x26: {  	[smem:$0x3F9B] =	sst s1;
	(tag) =	ssettag s2;
	_ =	strace s9  }
0x27: {  	s1 =	sld [smem:$0x3FAB]  }
0x28: {  	s2 =	sld [smem:$0x3FAC]  }
0x29: {  	s4 =	sld [smem:$0x3FAE]  }
0x2a: {  	p0 =	seq.s32 s5, $0x0;
	s5 =	sld [smem:$0x3FAF]  }
0x2b: {  	s6 =	sld [smem:$0x3FB0]  }
0x2c: {  	s7 =	sld [smem:$0x3FB1]  }
0x2d: {  	s3 =	simm.s32 $0x108;
	s8 =	sld [smem:$0x3FB2]  }
0x2e: {  	s3 =	simm.s32 @!p0 $0x1082;
	s9 =	sld [smem:$0x3FB3]  }
0x2f: {  	lr =	sadd.s32 s0, s3;
	s0 =	sld [smem:$0x3FAA]  }
0x30: {  	s3 =	sld [smem:$0x3FAD]  }
0x31: {  	[smem:$0x3FB6] =	sst s10  }
0x32: {  	s10 =	sld [smem:$0x3FB4];
	_ =	sdelay $0x3  }
0x33: {  	p0 =	seq.s32 s10, $0x1;
	s10 =	sld [smem:$0x3FB6];
	_ =	sdelay $0x3  }
0x34: {  	[smem:$0x3FB6] =	sst s10  }
0x35: {  	s10 =	sld [smem:$0x3FB5];
	_ =	sdelay $0x3  }
0x36: {  	p1 =	seq.s32 s10, $0x1;
	s10 =	sld [smem:$0x3FB6];
	_ =	sdelay $0x3  }
0x37: {  	[smem:$0x3FB6] =	sst s10  }
0x38: {  	s10 =	sld [smem:$0x3FB7]  }
0x39: {  	_ = 	snop;
	(pc) =	sbr.ind lr, $3  }
0x3a: {  	_ = 	snop  }
0x3b: {  	_ = 	snop  }
0x3c: {  	p2 =	seq.s32 s10, $0x1;
	s10 =	sld [smem:$0x3FB6]  }
0x3d: {  	_ =	shalt  }
0x3e: {  	_ =	shalt  }
0x3f: {  	_ =	shalt  }
0x40: {  	_ =	shalt  }
0x41: {  	_ =	shalt  }
0x42: {  	_ =	shalt  }
0x43: {  	_ =	shalt  }
0x44: {  	_ =	shalt  }
0x45: {  	_ =	shalt  }
0x46: {  	_ =	shalt  }
0x47: {  	_ =	shalt  }
0x48: {  	_ =	shalt  }
0x49: {  	_ =	shalt  }
0x4a: {  	_ =	shalt  }
0x4b: {  	_ =	shalt  }
0x4c: {  	_ =	shalt  }
0x4d: {  	_ =	shalt  }
0x4e: {  	_ =	shalt  }
0x4f: {  	_ =	shalt  }
0x50: {  	_ =	shalt  }
0x51: {  	_ =	shalt  }
0x52: {  	_ =	shalt  }
0x53: {  	_ =	shalt  }
0x54: {  	_ =	shalt  }
0x55: {  	_ =	shalt  }
0x56: {  	_ =	shalt  }
0x57: {  	_ =	shalt  }
0x58: {  	_ =	shalt  }
0x59: {  	_ =	shalt  }
0x5a: {  	_ =	shalt  }
0x5b: {  	_ =	shalt  }
0x5c: {  	_ =	shalt  }
0x5d: {  	_ =	shalt  }
0x5e: {  	_ =	shalt  }
0x5f: {  	_ =	shalt  }
0x60: {  	_ =	shalt  }
0x61: {  	_ =	shalt  }
0x62: {  	_ =	shalt  }
0x63: {  	_ =	shalt  }
0x64: {  	_ =	shalt  }
0x65: {  	_ =	shalt  }
0x66: {  	_ =	shalt  }
0x67: {  	_ =	shalt  }
0x68: {  	_ =	shalt  }
0x69: {  	_ =	shalt  }
0x6a: {  	_ =	shalt  }
0x6b: {  	_ =	shalt  }
0x6c: {  	_ =	shalt  }
0x6d: {  	_ =	shalt  }
0x6e: {  	_ =	shalt  }
0x6f: {  	_ =	shalt  }
0x70: {  	_ =	shalt  }
0x71: {  	_ =	shalt  }
0x72: {  	_ =	shalt  }
0x73: {  	_ =	shalt  }
0x74: {  	_ =	shalt  }
0x75: {  	_ =	shalt  }
0x76: {  	_ =	shalt  }
0x77: {  	_ =	shalt  }
0x78: {  	_ =	shalt  }
0x79: {  	_ =	shalt  }
0x7a: {  	_ =	shalt  }
0x7b: {  	_ =	shalt  }
0x7c: {  	_ =	shalt  }
0x7d: {  	_ =	shalt  }
0x7e: {  	_ =	shalt  }
0x7f: {  	_ =	shalt  }
0x80: {  	_ =	shalt  }
0x81: {  	_ =	shalt  }
0x82: {  	_ =	shalt  }
0x83: {  	_ =	shalt  }
0x84: {  	_ =	shalt  }
0x85: {  	_ =	shalt  }
0x86: {  	_ =	shalt  }
0x87: {  	_ =	shalt  }
.Lfunc_end0:
.L_simem_size_0:
called_computation_lowered:
.L_overlay_start_0:
0x88: {  	s2 =	sld [smem:$0x3FD9]  }
0x89: {  	s3 =	sld [smem:$0x3FFE];
	_ =	sdelay $0x1  }
0x8a: {  	s1 =	srdreg.scid  }
0x8b: {  	s0 =	sand.u32 $0x1, s1  }
0x8c: {  	s17 =	sshll.u32 s0, $0xA;
	s2 =	sadd.s32 s3, s2  }
0x8d: {  	s2 =	sadd.s32 s2, s17  }
0x8e: {  	[smem:$0x3FC2] =	sst s2  }
0x8f: {  	_ = 	snop  }
0x90: {  	s2 =	sld [smem:$0x3FC9]  }
0x91: {  	s18 =	sld [smem:$0x3FD0];
	(tm) =	ssettm $0x1  }
0x92: {  	s4 =	sld [smem:$0x3FFB];
	_ =	sdelay $0x3  }
0x93: {  	_ =	strace s4  }
0x94: {  	s4 =	sld [smem:$0x3FFC];
	_ =	sdelay $0x3  }
0x95: {  	_ =	strace s4  }
0x96: {  	s4 =	sld [smem:$0x3FFD];
	_ =	sdelay $0x3  }
0x97: {  	_ =	strace s4  }
0x98: {  	_ =	strace $0x8FFFFFFF  }
0x99: {  	s19 =	sld [smem:$0x3FDB];
	_ =	sdelay $0x1  }
0x9a: {  	s5 =	simm.s32 $_scs_section_size  }
0x9b: {  	s6 =	simm.s32 $_size__tile_overlayer_lowered;
	s7 =	simm.s32 $_tile_overlayer_lowered  }
0x9c: {  	s22 =	simm.s32 $0x1BFF;
	s21 =	sshll.u32 s7, $0x1;
	s4 =	sadd.s32 s5, s19  }
0x9d: {  	s8 =	simm.s32 $0x0;
	s20 =	sshll.u32 s6, $0x1;
	s6 =	sadd.s32 s21, s4  }
0x9e: {  	[timem:s8], [sflag:s22] =	dma.local [hbm:s6], s20  }
0x9f: {  	_ =	swait.ge [sflag:s22], s20  }
0xa0: {  	s5 =	ssub.s32 $0x0, s20;
	[sflag:s22] =	ssyncset.done $0x0  }
0xa1: {  	[sflag:s22] =	ssyncadd.s32 s5;
	_ =	sdelay $0x1  }
0xa2: {  	s23 =	simm.s32 $0x1B8B  }
0xa3: {  	_ =	swait.ge [sflag:s23], $0x1  }
0xa4: {  	[sflag:s23] =	ssyncset.done $0x0  }
0xa5: {  	s25 =	simm.s32 $0x1B8E;
	s24 =	sld [smem:$0x3FFE];
	[sflag:s23] =	ssyncadd.s32 $0xFFFFFFFF  }
0xa6: {  	s26 =	simm.s32 $execute0_lowered;
	[smem:$0x3FD2] =	sst s25  }
0xa7: {  	s6 =	sshll.u32 s26, $0x1;
	_ =	strace $0x80000046;
	[dreg:$0x1] =	wrdreg $0xFFFFFFFF  }
0xa8: {  	s28 =	simm.s32 $_size_execute0_lowered;
	s4 =	sadd.s32 s4, s6;
	[dreg:$0x0] =	wrdreg $0x0  }
0xa9: {  	s6 =	sshll.u32 s28, $0x1;
	[dreg:$0x2] =	wrdreg s4  }
0xaa: {  	[dreg:$0x3] =	wrdreg s6  }
0xab: {  	[dreg:$0x4] =	wrdreg $0xC0  }
0xac: {  	_ =	task [dreg:s8], $0x5FFFF  }
0xad: {  	[dreg:$0x1] =	wrdreg $0xFFFFFFFF  }
0xae: {  	[dreg:$0x0] =	wrdreg $0x60  }
0xaf: {  	[dreg:$0x2] =	wrdreg s24  }
0xb0: {  	[dreg:$0x3] =	wrdreg s2  }
0xb1: {  	[dreg:$0x4] =	wrdreg s18  }
0xb2: {  	[dreg:$0x5] =	wrdreg $0x9  }
0xb3: {  	_ =	task.clear_ibuf [dreg:s8], $0x6FFFF;
	_ =	strace $0x90000046  }
0xb4: {  	s29 =	simm.s32 $0x9;
	_ =	strace $0x80000048  }
0xb5: {  	_ =	swait.ge [sflag:s29], $0x1  }
0xb6: {  	[sflag:s29] =	ssyncadd.s32 $0xFFFFFFFF  }
0xb7: {  	_ =	strace $0x90000048  }
0xb8: {  	_ =	sfence  }
0xb9: {  	s30 =	sld [smem:$0x0];
	_ =	sdelay $0x2  }
0xba: {  	s31 =	sshll.u32 s1, $0xD;
	s1 =	sshrl.u32 s1, $0x2  }
0xbb: {  	s3 =	sand.u32 $0x4000, s31;
	s1 =	sadd.s32 s1, s30  }
0xbc: {  	s0 =	sor.u32 s3, s0;
	s1 =	sshll.u32 s1, $0x11  }
0xbd: {  	s0 =	sor.u32 s1, s0  }
0xbe: {  	s0 =	sadd.s32 $0x8F2B, s0  }
0xbf: {  	[sflag:s0] =	ssyncadd.remote.s32 $0x1  }
0xc0: {  	_ =	sfence.sel $0xFFFF  }
0xc1: {  	[dreg:$0x0] =	wrdreg $0xFFFFFFFF;
	(pc) =	sbr.abs _section_cstart, $3  }
0xc2: {  	[dreg:$0x1] =	wrdreg $0xFFFFFFFF  }
0xc3: {  	_ =	task.clear_ibuf [dreg:s8], $0x2FFFF;
	_ =	strace $0x9FFFFFFF  }
0xc4: {  	(tm) =	ssettm $0x7FFFFFFF  }
0xc5: {  	_ =	shalt  }
tec
execute0_lowered:
.L_overlay_start_1:
0x0: {  	(tag) =	ssettag $0x1  }
0x1: {  	s3 =	rddreg [dreg:$0x0]  }
0x2: {  	s4 =	rddreg [dreg:$0x1]  }
0x3: {  	s5 =	rddreg [dreg:$0x2]  }
0x4: {  	s0 =	rddreg [dreg:$0x3];
	s2 =	simm.s32 $0x0  }
0x5: {  	s6 =	srdreg.scid;
	s1 =	stileid.u32;
	s10 =	simm.s32 $0x6400  }
0x6: {  	s11 =	simm.s32 $0xC800;
	s12 =	simm.s32 $0x1;
	s13 =	simm.s32 $0x12C00  }
0x7: {  	s14 =	simm.s32 $0x0;
	[smem:$0x7FF] =	sst s2;
	s6 =	sand.u32 $0x1, s6  }
0x8: {  	s7 =	sshll.u32 s1, $0x1;
	s3 =	sadd.s32 $0x800, s3;
	s8 =	ssub.s32 $0x2, s6  }
0x9: {  	_ =	strace $0x80000047;
	s6 =	sor.u32 s6, s7;
	s31 =	sshrl.u32 s8, $0x1  }
0xa: {  	s9 =	sshll.u32 s6, $0x7;
	s6 =	sshll.u32 s6, $0x4;
	s7 =	ssub.s32 s8, s31  }
0xb: {  	s4 =	sadd.s32 s4, s9;
	s5 =	sadd.s32 s5, s6;
	s8 =	simm.s32 $0x8000  }
0xc: {  	s9 =	simm.s32 $0x2;
	s6 =	smax.u32 s7, $0x1;
	s7 =	simm.s32 $0x400  }
.LBB2_1:
0xd: {  	[tilespmem:s2], [sflag:$0x2] =	stream.strided.gather [hbm4b:s4+s7], $0x6400, s8, s7, $0x38;
	[tilespmem:$0x12C80] =	vst v63  }
0xe: {  	_ =	swait.ge [sflag:s9], $0x6400  }
0xf: {  	[sflag:s9] =	ssyncset.done $0x0  }
0x10: {  	s15 =	simm.s32 $0x0;
	[sflag:s9] =	ssyncadd.s32 $0xFFFF9C00  }
0x11: {  	v3 =	vld [tilespmem:s15+$0x70]  }
0x12: {  	v4 =	vld [tilespmem:s15+$0x0]  }
0x13: {  	v5 =	vld [tilespmem:s15+$0x10]  }
0x14: {  	v2 =	vld [tilespmem:s15+$0x20]  }
0x15: {  	v0 =	vld [tilespmem:s15+$0x30]  }
0x16: {  	v1 =	vld [tilespmem:s15+$0x40];
	[tilespmem:s15+$0x6470] =	vst v3  }
0x17: {  	[tilespmem:s15+$0x6400] =	vst v4;
	v3 =	vld [tilespmem:s15+$0x50]  }
0x18: {  	s16 =	simm.s32 $0x80;
	s17 =	simm.s32 $0x400;
	[tilespmem:s15+$0x6410] =	vst v5;
	v4 =	vld [tilespmem:s15+$0x60]  }
.LBB2_2:
0x19: {  	p0 =	sne.s32 s17, $0x18E00;
	v5 =	vld [tilespmem:s16+$0x70];
	[tilespmem:s15+$0x6420] =	vst v2  }
0x1a: {  	v6 =	vld [tilespmem:s16+$0x0];
	[tilespmem:s15+$0x6430] =	vst v0  }
0x1b: {  	v7 =	vld [tilespmem:s16+$0x10];
	[tilespmem:s15+$0x6440] =	vst v1  }
.Ltmp0:
0x1c: {  	v2 =	vld [tilespmem:s16+$0x20];
	[tilespmem:s15+$0x6450] =	vst v3;
	(pc) =	sbr.rel @p0 .LBB2_2-.Ltmp0, $4  }
0x1d: {  	v0 =	vld [tilespmem:s16+$0x30];
	[tilespmem:s15+$0x6460] =	vst v4;
	s15 =	smov.u32 s16  }
0x1e: {  	v1 =	vld [tilespmem:s15+$0x40];
	[tilespmem:s15+$0x6470] =	vst v5  }
0x1f: {  	[tilespmem:s15+$0x6400] =	vst v6;
	v3 =	vld [tilespmem:s15+$0x50]  }
0x20: {  	s16 =	sshra.s32 s17, $0x2;
	s17 =	sadd.s32 $0x200, s17;
	[tilespmem:s15+$0x6410] =	vst v7;
	v4 =	vld [tilespmem:s15+$0x60]  }
0x21: {  	v5 =	vld [tilespmem:s16+$0x70];
	[tilespmem:s15+$0x6420] =	vst v2  }
0x22: {  	v2 =	vld [tilespmem:s16+$0x0];
	[tilespmem:s15+$0x6430] =	vst v0  }
0x23: {  	v0 =	vld [tilespmem:s16+$0x10];
	[tilespmem:s15+$0x6440] =	vst v1  }
0x24: {  	v1 =	vld [tilespmem:s16+$0x20];
	[tilespmem:s15+$0x6450] =	vst v3  }
0x25: {  	v3 =	vld [tilespmem:s16+$0x30];
	[tilespmem:s15+$0x6460] =	vst v4  }
0x26: {  	v4 =	vld [tilespmem:s16+$0x40];
	[tilespmem:s16+$0x6470] =	vst v5  }
0x27: {  	[tilespmem:s16+$0x6400] =	vst v2;
	v2 =	vld [tilespmem:s16+$0x50]  }
0x28: {  	[tilespmem:s16+$0x6410] =	vst v0;
	v0 =	vld [tilespmem:s16+$0x60]  }
0x29: {  	[tilespmem:s16+$0x6420] =	vst v1  }
0x2a: {  	[tilespmem:s16+$0x6430] =	vst v3  }
0x2b: {  	[tilespmem:s16+$0x6440] =	vst v4  }
0x2c: {  	[tilespmem:s16+$0x6450] =	vst v2  }
0x2d: {  	[tilespmem:s16+$0x6460] =	vst v0  }
0x2e: {  	[tilespmem:s11], [sflag:$0x1] =	stream.indirect.gather [hbm4b:s3+s10], $0x1, s10, s10, $0xb8;
	[tilespmem:$0x12C80] =	vst v63  }
0x2f: {  	_ =	swait.ge [sflag:s12], $0x6400  }
0x30: {  	[sflag:s12] =	ssyncset.done $0x0  }
0x31: {  	s16 =	simm.s32 $0x0;
	[sflag:s12] =	ssyncadd.s32 $0xFFFF9C00  }
0x32: {  	v0 =	vld [tilespmem:s16+$0xC800]  }
0x33: {  	v1 =	vld [tilespmem:s16+$0xC880];
	_ =	sdelay $0x1  }
0x34: {  	v2 =	vld [tilespmem:s16+$0xC900];
	_ =	sdelay $0x1  }
0x35: {  	v3 =	vld [tilespmem:s16+$0xC980]  }
0x36: {  	v0 =	vadd.f32 v1, v0  }
0x37: {  	v1 =	vld [tilespmem:s16+$0xCA00]  }
0x38: {  	v0 =	vadd.f32 v2, v0  }
0x39: {  	v2 =	vld [tilespmem:s16+$0xCA80]  }
0x3a: {  	v0 =	vadd.f32 v3, v0  }
0x3b: {  	v3 =	vld [tilespmem:s16+$0xCB00]  }
0x3c: {  	v0 =	vadd.f32 v1, v0  }
0x3d: {  	v1 =	vld [tilespmem:s16+$0xCB80]  }
0x3e: {  	v0 =	vadd.f32 v2, v0  }
0x3f: {  	v2 =	vld [tilespmem:s16+$0xCC00]  }
0x40: {  	v0 =	vadd.f32 v3, v0  }
0x41: {  	v3 =	vld [tilespmem:s16+$0xCC80]  }
0x42: {  	v0 =	vadd.f32 v1, v0  }
0x43: {  	v1 =	vld [tilespmem:s16+$0xCD00]  }
0x44: {  	v0 =	vadd.f32 v2, v0  }
0x45: {  	v2 =	vld [tilespmem:s16+$0xCD80]  }
0x46: {  	v0 =	vadd.f32 v3, v0  }
0x47: {  	v3 =	vld [tilespmem:s16+$0xCE00]  }
0x48: {  	v0 =	vadd.f32 v1, v0  }
0x49: {  	v1 =	vld [tilespmem:s16+$0xCE80]  }
0x4a: {  	v0 =	vadd.f32 v2, v0  }
0x4b: {  	v2 =	vld [tilespmem:s16+$0xCF00]  }
0x4c: {  	v0 =	vadd.f32 v3, v0  }
0x4d: {  	v3 =	vld [tilespmem:s16+$0xCF80]  }
0x4e: {  	v0 =	vadd.f32 v1, v0  }
0x4f: {  	v1 =	vld [tilespmem:s16+$0xD000]  }
0x50: {  	v0 =	vadd.f32 v2, v0  }
0x51: {  	v2 =	vld [tilespmem:s16+$0xD080]  }
0x52: {  	v0 =	vadd.f32 v3, v0  }
0x53: {  	v3 =	vld [tilespmem:s16+$0xD100]  }
0x54: {  	v0 =	vadd.f32 v1, v0  }
0x55: {  	v1 =	vld [tilespmem:s16+$0xD180]  }
0x56: {  	v0 =	vadd.f32 v2, v0  }
0x57: {  	v2 =	vld [tilespmem:s16+$0xD200]  }
0x58: {  	v0 =	vadd.f32 v3, v0  }
0x59: {  	v3 =	vld [tilespmem:s16+$0xD280]  }
0x5a: {  	v0 =	vadd.f32 v1, v0  }
0x5b: {  	v1 =	vld [tilespmem:s16+$0xD300]  }
0x5c: {  	v0 =	vadd.f32 v2, v0  }
0x5d: {  	v2 =	vld [tilespmem:s16+$0xD380]  }
0x5e: {  	v0 =	vadd.f32 v3, v0  }
0x5f: {  	v3 =	vld [tilespmem:s16+$0xD400]  }
0x60: {  	v0 =	vadd.f32 v1, v0  }
0x61: {  	v1 =	vld [tilespmem:s16+$0xD480]  }
0x62: {  	v0 =	vadd.f32 v2, v0  }
0x63: {  	v2 =	vld [tilespmem:s16+$0xD500]  }
0x64: {  	v0 =	vadd.f32 v3, v0  }
0x65: {  	v3 =	vld [tilespmem:s16+$0xD580]  }
0x66: {  	v0 =	vadd.f32 v1, v0  }
0x67: {  	v1 =	vld [tilespmem:s16+$0xD600]  }
0x68: {  	v0 =	vadd.f32 v2, v0  }
0x69: {  	v2 =	vld [tilespmem:s16+$0xD680]  }
0x6a: {  	v0 =	vadd.f32 v3, v0  }
0x6b: {  	v3 =	vld [tilespmem:s16+$0xD700]  }
0x6c: {  	v0 =	vadd.f32 v1, v0  }
0x6d: {  	v1 =	vld [tilespmem:s16+$0xD780]  }
0x6e: {  	v0 =	vadd.f32 v2, v0  }
0x6f: {  	v2 =	vld [tilespmem:s16+$0xD800]  }
0x70: {  	v0 =	vadd.f32 v3, v0  }
0x71: {  	v3 =	vld [tilespmem:s16+$0xD880]  }
0x72: {  	v0 =	vadd.f32 v1, v0  }
0x73: {  	v1 =	vld [tilespmem:s16+$0xD900]  }
0x74: {  	v0 =	vadd.f32 v2, v0  }
0x75: {  	v2 =	vld [tilespmem:s16+$0xD980]  }
0x76: {  	v0 =	vadd.f32 v3, v0  }
0x77: {  	v3 =	vld [tilespmem:s16+$0xDA00]  }
0x78: {  	v0 =	vadd.f32 v1, v0  }
0x79: {  	v1 =	vld [tilespmem:s16+$0xDA80]  }
0x7a: {  	v0 =	vadd.f32 v2, v0  }
0x7b: {  	v2 =	vld [tilespmem:s16+$0xDB00]  }
0x7c: {  	v0 =	vadd.f32 v3, v0  }
0x7d: {  	v3 =	vld [tilespmem:s16+$0xDB80]  }
0x7e: {  	v0 =	vadd.f32 v1, v0  }
0x7f: {  	v1 =	vld [tilespmem:s16+$0xDC00]  }
0x80: {  	v0 =	vadd.f32 v2, v0  }
0x81: {  	v2 =	vld [tilespmem:s16+$0xDC80]  }
0x82: {  	v0 =	vadd.f32 v3, v0  }
0x83: {  	v3 =	vld [tilespmem:s16+$0xDD00]  }
0x84: {  	v0 =	vadd.f32 v1, v0  }
0x85: {  	v1 =	vld [tilespmem:s16+$0xDD80]  }
0x86: {  	v0 =	vadd.f32 v2, v0  }
0x87: {  	v2 =	vld [tilespmem:s16+$0xDE00]  }
0x88: {  	v0 =	vadd.f32 v3, v0  }
0x89: {  	v3 =	vld [tilespmem:s16+$0xDE80]  }
0x8a: {  	v0 =	vadd.f32 v1, v0  }
0x8b: {  	v1 =	vld [tilespmem:s16+$0xDF00]  }
0x8c: {  	v0 =	vadd.f32 v2, v0  }
0x8d: {  	v2 =	vld [tilespmem:s16+$0xDF80]  }
0x8e: {  	v0 =	vadd.f32 v3, v0  }
0x8f: {  	v3 =	vld [tilespmem:s16+$0xE000]  }
0x90: {  	v0 =	vadd.f32 v1, v0  }
0x91: {  	v1 =	vld [tilespmem:s16+$0xE080]  }
0x92: {  	v0 =	vadd.f32 v2, v0  }
0x93: {  	v2 =	vld [tilespmem:s16+$0xE100]  }
0x94: {  	v0 =	vadd.f32 v3, v0  }
0x95: {  	v3 =	vld [tilespmem:s16+$0xE180]  }
0x96: {  	v0 =	vadd.f32 v1, v0  }
0x97: {  	v1 =	vld [tilespmem:s16+$0xE200]  }
0x98: {  	v0 =	vadd.f32 v2, v0  }
0x99: {  	v2 =	vld [tilespmem:s16+$0xE280]  }
0x9a: {  	v0 =	vadd.f32 v3, v0  }
0x9b: {  	v3 =	vld [tilespmem:s16+$0xE300]  }
0x9c: {  	v0 =	vadd.f32 v1, v0  }
0x9d: {  	v1 =	vld [tilespmem:s16+$0xE380]  }
0x9e: {  	v0 =	vadd.f32 v2, v0  }
0x9f: {  	v2 =	vld [tilespmem:s16+$0xE400]  }
0xa0: {  	v0 =	vadd.f32 v3, v0  }
0xa1: {  	v3 =	vld [tilespmem:s16+$0xE480]  }
0xa2: {  	v0 =	vadd.f32 v1, v0  }
0xa3: {  	v1 =	vld [tilespmem:s16+$0xE500]  }
0xa4: {  	v0 =	vadd.f32 v2, v0  }
0xa5: {  	v2 =	vld [tilespmem:s16+$0xE580]  }
0xa6: {  	v0 =	vadd.f32 v3, v0  }
0xa7: {  	v3 =	vld [tilespmem:s16+$0xE600]  }
0xa8: {  	v0 =	vadd.f32 v1, v0  }
0xa9: {  	v1 =	vld [tilespmem:s16+$0xE680]  }
0xaa: {  	v0 =	vadd.f32 v2, v0  }
0xab: {  	v2 =	vld [tilespmem:s16+$0xE700]  }
0xac: {  	v0 =	vadd.f32 v3, v0  }
0xad: {  	v3 =	vld [tilespmem:s16+$0xE780]  }
0xae: {  	v0 =	vadd.f32 v1, v0  }
0xaf: {  	v1 =	vld [tilespmem:s16+$0xE800]  }
0xb0: {  	v0 =	vadd.f32 v2, v0  }
0xb1: {  	v2 =	vld [tilespmem:s16+$0xE880]  }
0xb2: {  	v0 =	vadd.f32 v3, v0  }
0xb3: {  	v3 =	vld [tilespmem:s16+$0xE900]  }
0xb4: {  	v0 =	vadd.f32 v1, v0  }
0xb5: {  	v1 =	vld [tilespmem:s16+$0xE980]  }
0xb6: {  	v0 =	vadd.f32 v2, v0  }
0xb7: {  	v2 =	vld [tilespmem:s16+$0xEA00]  }
0xb8: {  	v0 =	vadd.f32 v3, v0  }
0xb9: {  	v3 =	vld [tilespmem:s16+$0xEA80]  }
0xba: {  	v0 =	vadd.f32 v1, v0  }
0xbb: {  	v1 =	vld [tilespmem:s16+$0xEB00]  }
0xbc: {  	v0 =	vadd.f32 v2, v0  }
0xbd: {  	v2 =	vld [tilespmem:s16+$0xEB80]  }
0xbe: {  	v0 =	vadd.f32 v3, v0  }
0xbf: {  	v3 =	vld [tilespmem:s16+$0xEC00]  }
0xc0: {  	v0 =	vadd.f32 v1, v0  }
0xc1: {  	v1 =	vld [tilespmem:s16+$0xEC80]  }
0xc2: {  	v0 =	vadd.f32 v2, v0  }
0xc3: {  	v2 =	vld [tilespmem:s16+$0xED00]  }
0xc4: {  	v0 =	vadd.f32 v3, v0  }
0xc5: {  	v3 =	vld [tilespmem:s16+$0xED80]  }
0xc6: {  	v0 =	vadd.f32 v1, v0  }
0xc7: {  	v1 =	vld [tilespmem:s16+$0xEE00]  }
0xc8: {  	v0 =	vadd.f32 v2, v0  }
0xc9: {  	v2 =	vld [tilespmem:s16+$0xEE80]  }
0xca: {  	v0 =	vadd.f32 v3, v0  }
0xcb: {  	v3 =	vld [tilespmem:s16+$0xEF00]  }
0xcc: {  	v0 =	vadd.f32 v1, v0  }
0xcd: {  	v1 =	vld [tilespmem:s16+$0xEF80]  }
0xce: {  	v0 =	vadd.f32 v2, v0  }
0xcf: {  	v2 =	vld [tilespmem:s16+$0xF000]  }
0xd0: {  	v0 =	vadd.f32 v3, v0  }
0xd1: {  	v3 =	vld [tilespmem:s16+$0xF080]  }
0xd2: {  	v0 =	vadd.f32 v1, v0  }
0xd3: {  	v1 =	vld [tilespmem:s16+$0xF100]  }
0xd4: {  	v0 =	vadd.f32 v2, v0  }
0xd5: {  	v2 =	vld [tilespmem:s16+$0xF180]  }
0xd6: {  	v0 =	vadd.f32 v3, v0  }
0xd7: {  	v3 =	vld [tilespmem:s16+$0xF200]  }
0xd8: {  	v0 =	vadd.f32 v1, v0  }
0xd9: {  	v1 =	vld [tilespmem:s16+$0xF280]  }
0xda: {  	v0 =	vadd.f32 v2, v0  }
0xdb: {  	v2 =	vld [tilespmem:s16+$0xF300]  }
0xdc: {  	v0 =	vadd.f32 v3, v0  }
0xdd: {  	v3 =	vld [tilespmem:s16+$0xF380]  }
0xde: {  	v0 =	vadd.f32 v1, v0  }
0xdf: {  	v1 =	vld [tilespmem:s16+$0xF400]  }
0xe0: {  	v0 =	vadd.f32 v2, v0  }
0xe1: {  	v2 =	vld [tilespmem:s16+$0xF480]  }
0xe2: {  	v0 =	vadd.f32 v3, v0  }
0xe3: {  	v3 =	vld [tilespmem:s16+$0xF500]  }
0xe4: {  	v0 =	vadd.f32 v1, v0  }
0xe5: {  	v1 =	vld [tilespmem:s16+$0xF580]  }
0xe6: {  	v0 =	vadd.f32 v2, v0  }
0xe7: {  	v2 =	vld [tilespmem:s16+$0xF600]  }
0xe8: {  	v0 =	vadd.f32 v3, v0  }
0xe9: {  	v3 =	vld [tilespmem:s16+$0xF680]  }
0xea: {  	v0 =	vadd.f32 v1, v0  }
0xeb: {  	v1 =	vld [tilespmem:s16+$0xF700]  }
0xec: {  	v0 =	vadd.f32 v2, v0  }
0xed: {  	v2 =	vld [tilespmem:s16+$0xF780]  }
0xee: {  	v0 =	vadd.f32 v3, v0  }
0xef: {  	v3 =	vld [tilespmem:s16+$0xF800]  }
0xf0: {  	v0 =	vadd.f32 v1, v0  }
0xf1: {  	v1 =	vld [tilespmem:s16+$0xF880]  }
0xf2: {  	v0 =	vadd.f32 v2, v0  }
0xf3: {  	v2 =	vld [tilespmem:s16+$0xF900]  }
0xf4: {  	v0 =	vadd.f32 v3, v0  }
0xf5: {  	v3 =	vld [tilespmem:s16+$0xF980]  }
0xf6: {  	s15 =	simm.s32 $0x10;
	v4 =	vld [tilespmem:s16+$0xFA00];
	v0 =	vadd.f32 v1, v0  }
0xf7: {  	v5 =	vld [tilespmem:s15+$0xC800]  }
0xf8: {  	v1 =	vld [tilespmem:s16+$0xFA80];
	v0 =	vadd.f32 v2, v0  }
0xf9: {  	v2 =	vld [tilespmem:s15+$0xC880]  }
0xfa: {  	v6 =	vld [tilespmem:s15+$0xC900];
	v0 =	vadd.f32 v3, v0  }
0xfb: {  	v3 =	vld [tilespmem:s16+$0xFB00]  }
0xfc: {  	v7 =	vld [tilespmem:s15+$0xC980];
	v0 =	vadd.f32 v4, v0  }
0xfd: {  	v4 =	vld [tilespmem:s16+$0xFB80]  }
0xfe: {  	v2 =	vadd.f32 v2, v5;
	v5 =	vld [tilespmem:s15+$0xCA00];
	v0 =	vadd.f32 v1, v0  }
0xff: {  	v1 =	vld [tilespmem:s16+$0xFC00]  }
0x100: {  	v2 =	vadd.f32 v6, v2;
	v6 =	vld [tilespmem:s15+$0xCA80];
	v0 =	vadd.f32 v3, v0  }
0x101: {  	v3 =	vld [tilespmem:s16+$0xFC80]  }
0x102: {  	v2 =	vadd.f32 v7, v2;
	v7 =	vld [tilespmem:s15+$0xCB00];
	v0 =	vadd.f32 v4, v0  }
0x103: {  	v4 =	vld [tilespmem:s16+$0xFD00]  }
0x104: {  	v2 =	vadd.f32 v5, v2;
	v5 =	vld [tilespmem:s15+$0xCB80];
	v0 =	vadd.f32 v1, v0  }
0x105: {  	v1 =	vld [tilespmem:s16+$0xFD80]  }
0x106: {  	v2 =	vadd.f32 v6, v2;
	v6 =	vld [tilespmem:s15+$0xCC00];
	v0 =	vadd.f32 v3, v0  }
0x107: {  	v3 =	vld [tilespmem:s16+$0xFE00]  }
0x108: {  	v2 =	vadd.f32 v7, v2;
	v7 =	vld [tilespmem:s15+$0xCC80];
	v0 =	vadd.f32 v4, v0  }
0x109: {  	v4 =	vld [tilespmem:s16+$0xFE80]  }
0x10a: {  	v2 =	vadd.f32 v5, v2;
	v5 =	vld [tilespmem:s15+$0xCD00];
	v0 =	vadd.f32 v1, v0  }
0x10b: {  	v1 =	vld [tilespmem:s16+$0xFF00]  }
0x10c: {  	v2 =	vadd.f32 v6, v2;
	v6 =	vld [tilespmem:s15+$0xCD80];
	v0 =	vadd.f32 v3, v0  }
0x10d: {  	v3 =	vld [tilespmem:s16+$0xFF80]  }
0x10e: {  	v2 =	vadd.f32 v7, v2;
	v7 =	vld [tilespmem:s15+$0xCE00];
	v0 =	vadd.f32 v4, v0  }
0x10f: {  	v4 =	vld [tilespmem:s16+$0x10000]  }
0x110: {  	v2 =	vadd.f32 v5, v2;
	v5 =	vld [tilespmem:s15+$0xCE80];
	v0 =	vadd.f32 v1, v0  }
0x111: {  	v1 =	vld [tilespmem:s16+$0x10080]  }
0x112: {  	v2 =	vadd.f32 v6, v2;
	v6 =	vld [tilespmem:s15+$0xCF00];
	v0 =	vadd.f32 v3, v0  }
0x113: {  	v3 =	vld [tilespmem:s16+$0x10100]  }
0x114: {  	v2 =	vadd.f32 v7, v2;
	v7 =	vld [tilespmem:s15+$0xCF80];
	v0 =	vadd.f32 v4, v0  }
0x115: {  	v4 =	vld [tilespmem:s16+$0x10180]  }
0x116: {  	v2 =	vadd.f32 v5, v2;
	v5 =	vld [tilespmem:s15+$0xD000];
	v0 =	vadd.f32 v1, v0  }
0x117: {  	v1 =	vld [tilespmem:s16+$0x10200]  }
0x118: {  	v2 =	vadd.f32 v6, v2;
	v6 =	vld [tilespmem:s15+$0xD080];
	v0 =	vadd.f32 v3, v0  }
0x119: {  	v3 =	vld [tilespmem:s16+$0x10280]  }
0x11a: {  	v2 =	vadd.f32 v7, v2;
	v7 =	vld [tilespmem:s15+$0xD100];
	v0 =	vadd.f32 v4, v0  }
0x11b: {  	v4 =	vld [tilespmem:s16+$0x10300]  }
0x11c: {  	v2 =	vadd.f32 v5, v2;
	v5 =	vld [tilespmem:s15+$0xD180];
	v0 =	vadd.f32 v1, v0  }
0x11d: {  	v1 =	vld [tilespmem:s16+$0x10380]  }
0x11e: {  	v2 =	vadd.f32 v6, v2;
	v6 =	vld [tilespmem:s15+$0xD200];
	v0 =	vadd.f32 v3, v0  }
0x11f: {  	v3 =	vld [tilespmem:s16+$0x10400]  }
0x120: {  	v2 =	vadd.f32 v7, v2;
	v7 =	vld [tilespmem:s15+$0xD280];
	v0 =	vadd.f32 v4, v0  }
0x121: {  	v4 =	vld [tilespmem:s16+$0x10480]  }
0x122: {  	v2 =	vadd.f32 v5, v2;
	v5 =	vld [tilespmem:s15+$0xD300];
	v0 =	vadd.f32 v1, v0  }
0x123: {  	v1 =	vld [tilespmem:s16+$0x10500]  }
0x124: {  	v2 =	vadd.f32 v6, v2;
	v6 =	vld [tilespmem:s15+$0xD380];
	v0 =	vadd.f32 v3, v0  }
0x125: {  	v3 =	vld [tilespmem:s16+$0x10580]  }
0x126: {  	v2 =	vadd.f32 v7, v2;
	v7 =	vld [tilespmem:s15+$0xD400];
	v0 =	vadd.f32 v4, v0  }
0x127: {  	v4 =	vld [tilespmem:s16+$0x10600]  }
0x128: {  	v2 =	vadd.f32 v5, v2;
	v5 =	vld [tilespmem:s15+$0xD480];
	v0 =	vadd.f32 v1, v0  }
0x129: {  	v1 =	vld [tilespmem:s16+$0x10680]  }
0x12a: {  	v2 =	vadd.f32 v6, v2;
	v6 =	vld [tilespmem:s15+$0xD500];
	v0 =	vadd.f32 v3, v0  }
0x12b: {  	v3 =	vld [tilespmem:s16+$0x10700]  }
0x12c: {  	v2 =	vadd.f32 v7, v2;
	v7 =	vld [tilespmem:s15+$0xD580];
	v0 =	vadd.f32 v4, v0  }
0x12d: {  	v4 =	vld [tilespmem:s16+$0x10780]  }
0x12e: {  	v2 =	vadd.f32 v5, v2;
	v5 =	vld [tilespmem:s15+$0xD600];
	v0 =	vadd.f32 v1, v0  }
0x12f: {  	v1 =	vld [tilespmem:s16+$0x10800]  }
0x130: {  	v2 =	vadd.f32 v6, v2;
	v6 =	vld [tilespmem:s15+$0xD680];
	v0 =	vadd.f32 v3, v0  }
0x131: {  	v3 =	vld [tilespmem:s16+$0x10880]  }
0x132: {  	v2 =	vadd.f32 v7, v2;
	v7 =	vld [tilespmem:s15+$0xD700];
	v0 =	vadd.f32 v4, v0  }
0x133: {  	v4 =	vld [tilespmem:s16+$0x10900]  }
0x134: {  	v2 =	vadd.f32 v5, v2;
	v5 =	vld [tilespmem:s15+$0xD780];
	v0 =	vadd.f32 v1, v0  }
0x135: {  	v1 =	vld [tilespmem:s16+$0x10980]  }
0x136: {  	v2 =	vadd.f32 v6, v2;
	v6 =	vld [tilespmem:s15+$0xD800];
	v0 =	vadd.f32 v3, v0  }
0x137: {  	v3 =	vld [tilespmem:s16+$0x10A00]  }
0x138: {  	v2 =	vadd.f32 v7, v2;
	v7 =	vld [tilespmem:s15+$0xD880];
	v0 =	vadd.f32 v4, v0  }
0x139: {  	v4 =	vld [tilespmem:s16+$0x10A80]  }
0x13a: {  	v2 =	vadd.f32 v5, v2;
	v5 =	vld [tilespmem:s15+$0xD900];
	v0 =	vadd.f32 v1, v0  }
0x13b: {  	v1 =	vld [tilespmem:s16+$0x10B00]  }
0x13c: {  	v2 =	vadd.f32 v6, v2;
	v6 =	vld [tilespmem:s15+$0xD980];
	v0 =	vadd.f32 v3, v0  }
0x13d: {  	v3 =	vld [tilespmem:s16+$0x10B80]  }
0x13e: {  	v2 =	vadd.f32 v7, v2;
	v7 =	vld [tilespmem:s15+$0xDA00];
	v0 =	vadd.f32 v4, v0  }
0x13f: {  	v4 =	vld [tilespmem:s16+$0x10C00]  }
0x140: {  	v2 =	vadd.f32 v5, v2;
	v5 =	vld [tilespmem:s15+$0xDA80];
	v0 =	vadd.f32 v1, v0  }
0x141: {  	v1 =	vld [tilespmem:s16+$0x10C80]  }
0x142: {  	v2 =	vadd.f32 v6, v2;
	v6 =	vld [tilespmem:s15+$0xDB00];
	v0 =	vadd.f32 v3, v0  }
0x143: {  	v3 =	vld [tilespmem:s16+$0x10D00]  }
0x144: {  	v2 =	vadd.f32 v7, v2;
	v7 =	vld [tilespmem:s15+$0xDB80];
	v0 =	vadd.f32 v4, v0  }
0x145: {  	v4 =	vld [tilespmem:s16+$0x10D80]  }
0x146: {  	v2 =	vadd.f32 v5, v2;
	v5 =	vld [tilespmem:s15+$0xDC00];
	v0 =	vadd.f32 v1, v0  }
0x147: {  	v1 =	vld [tilespmem:s16+$0x10E00]  }
0x148: {  	v2 =	vadd.f32 v6, v2;
	v6 =	vld [tilespmem:s15+$0xDC80];
	v0 =	vadd.f32 v3, v0  }
0x149: {  	v3 =	vld [tilespmem:s16+$0x10E80]  }
0x14a: {  	v2 =	vadd.f32 v7, v2;
	v7 =	vld [tilespmem:s15+$0xDD00];
	v0 =	vadd.f32 v4, v0  }
0x14b: {  	v4 =	vld [tilespmem:s16+$0x10F00]  }
0x14c: {  	v2 =	vadd.f32 v5, v2;
	v5 =	vld [tilespmem:s15+$0xDD80];
	v0 =	vadd.f32 v1, v0  }
0x14d: {  	v1 =	vld [tilespmem:s16+$0x10F80]  }
0x14e: {  	v2 =	vadd.f32 v6, v2;
	v6 =	vld [tilespmem:s15+$0xDE00];
	v0 =	vadd.f32 v3, v0  }
0x14f: {  	v3 =	vld [tilespmem:s16+$0x11000]  }
0x150: {  	v2 =	vadd.f32 v7, v2;
	v7 =	vld [tilespmem:s15+$0xDE80];
	v0 =	vadd.f32 v4, v0  }
0x151: {  	v4 =	vld [tilespmem:s16+$0x11080]  }
0x152: {  	v2 =	vadd.f32 v5, v2;
	v5 =	vld [tilespmem:s15+$0xDF00];
	v0 =	vadd.f32 v1, v0  }
0x153: {  	v1 =	vld [tilespmem:s16+$0x11100]  }
0x154: {  	v2 =	vadd.f32 v6, v2;
	v6 =	vld [tilespmem:s15+$0xDF80];
	v0 =	vadd.f32 v3, v0  }
0x155: {  	v3 =	vld [tilespmem:s16+$0x11180]  }
0x156: {  	v2 =	vadd.f32 v7, v2;
	v7 =	vld [tilespmem:s15+$0xE000];
	v0 =	vadd.f32 v4, v0  }
0x157: {  	v4 =	vld [tilespmem:s16+$0x11200]  }
0x158: {  	v2 =	vadd.f32 v5, v2;
	v5 =	vld [tilespmem:s15+$0xE080];
	v0 =	vadd.f32 v1, v0  }
0x159: {  	v1 =	vld [tilespmem:s16+$0x11280]  }
0x15a: {  	v2 =	vadd.f32 v6, v2;
	v6 =	vld [tilespmem:s15+$0xE100];
	v0 =	vadd.f32 v3, v0  }
0x15b: {  	v3 =	vld [tilespmem:s16+$0x11300]  }
0x15c: {  	v2 =	vadd.f32 v7, v2;
	v7 =	vld [tilespmem:s15+$0xE180];
	v0 =	vadd.f32 v4, v0  }
0x15d: {  	v4 =	vld [tilespmem:s16+$0x11380]  }
0x15e: {  	v2 =	vadd.f32 v5, v2;
	v5 =	vld [tilespmem:s15+$0xE200];
	v0 =	vadd.f32 v1, v0  }
0x15f: {  	v1 =	vld [tilespmem:s16+$0x11400]  }
0x160: {  	v2 =	vadd.f32 v6, v2;
	v6 =	vld [tilespmem:s15+$0xE280];
	v0 =	vadd.f32 v3, v0  }
0x161: {  	v3 =	vld [tilespmem:s16+$0x11480]  }
0x162: {  	v2 =	vadd.f32 v7, v2;
	v7 =	vld [tilespmem:s15+$0xE300];
	v0 =	vadd.f32 v4, v0  }
0x163: {  	v4 =	vld [tilespmem:s16+$0x11500]  }
0x164: {  	v2 =	vadd.f32 v5, v2;
	v5 =	vld [tilespmem:s15+$0xE380];
	v0 =	vadd.f32 v1, v0  }
0x165: {  	v1 =	vld [tilespmem:s16+$0x11580]  }
0x166: {  	v2 =	vadd.f32 v6, v2;
	v6 =	vld [tilespmem:s15+$0xE400];
	v0 =	vadd.f32 v3, v0  }
0x167: {  	v3 =	vld [tilespmem:s16+$0x11600]  }
0x168: {  	v2 =	vadd.f32 v7, v2;
	v7 =	vld [tilespmem:s15+$0xE480];
	v0 =	vadd.f32 v4, v0  }
0x169: {  	v4 =	vld [tilespmem:s16+$0x11680]  }
0x16a: {  	v2 =	vadd.f32 v5, v2;
	v5 =	vld [tilespmem:s15+$0xE500];
	v0 =	vadd.f32 v1, v0  }
0x16b: {  	v1 =	vld [tilespmem:s16+$0x11700]  }
0x16c: {  	v2 =	vadd.f32 v6, v2;
	v6 =	vld [tilespmem:s15+$0xE580];
	v0 =	vadd.f32 v3, v0  }
0x16d: {  	v3 =	vld [tilespmem:s16+$0x11780]  }
0x16e: {  	v2 =	vadd.f32 v7, v2;
	v7 =	vld [tilespmem:s15+$0xE600];
	v0 =	vadd.f32 v4, v0  }
0x16f: {  	v4 =	vld [tilespmem:s16+$0x11800]  }
0x170: {  	v2 =	vadd.f32 v5, v2;
	v5 =	vld [tilespmem:s15+$0xE680];
	v0 =	vadd.f32 v1, v0  }
0x171: {  	v1 =	vld [tilespmem:s16+$0x11880]  }
0x172: {  	v2 =	vadd.f32 v6, v2;
	v6 =	vld [tilespmem:s15+$0xE700];
	v0 =	vadd.f32 v3, v0  }
0x173: {  	v3 =	vld [tilespmem:s16+$0x11900]  }
0x174: {  	v2 =	vadd.f32 v7, v2;
	v7 =	vld [tilespmem:s15+$0xE780];
	v0 =	vadd.f32 v4, v0  }
0x175: {  	v4 =	vld [tilespmem:s16+$0x11980]  }
0x176: {  	v2 =	vadd.f32 v5, v2;
	v5 =	vld [tilespmem:s15+$0xE800];
	v0 =	vadd.f32 v1, v0  }
0x177: {  	v1 =	vld [tilespmem:s16+$0x11A00]  }
0x178: {  	v2 =	vadd.f32 v6, v2;
	v6 =	vld [tilespmem:s15+$0xE880];
	v0 =	vadd.f32 v3, v0  }
0x179: {  	v3 =	vld [tilespmem:s16+$0x11A80]  }
0x17a: {  	v2 =	vadd.f32 v7, v2;
	v7 =	vld [tilespmem:s15+$0xE900];
	v0 =	vadd.f32 v4, v0  }
0x17b: {  	v4 =	vld [tilespmem:s16+$0x11B00]  }
0x17c: {  	v2 =	vadd.f32 v5, v2;
	v5 =	vld [tilespmem:s15+$0xE980];
	v0 =	vadd.f32 v1, v0  }
0x17d: {  	v1 =	vld [tilespmem:s16+$0x11B80]  }
0x17e: {  	v2 =	vadd.f32 v6, v2;
	v6 =	vld [tilespmem:s15+$0xEA00];
	v0 =	vadd.f32 v3, v0  }
0x17f: {  	v3 =	vld [tilespmem:s16+$0x11C00]  }
0x180: {  	v2 =	vadd.f32 v7, v2;
	v7 =	vld [tilespmem:s15+$0xEA80];
	v0 =	vadd.f32 v4, v0  }
0x181: {  	v4 =	vld [tilespmem:s16+$0x11C80]  }
0x182: {  	v2 =	vadd.f32 v5, v2;
	v5 =	vld [tilespmem:s15+$0xEB00];
	v0 =	vadd.f32 v1, v0  }
0x183: {  	v1 =	vld [tilespmem:s16+$0x11D00]  }
0x184: {  	v2 =	vadd.f32 v6, v2;
	v6 =	vld [tilespmem:s15+$0xEB80];
	v0 =	vadd.f32 v3, v0  }
0x185: {  	v3 =	vld [tilespmem:s16+$0x11D80]  }
0x186: {  	v2 =	vadd.f32 v7, v2;
	v7 =	vld [tilespmem:s15+$0xEC00];
	v0 =	vadd.f32 v4, v0  }
0x187: {  	v4 =	vld [tilespmem:s16+$0x11E00]  }
0x188: {  	v2 =	vadd.f32 v5, v2;
	v5 =	vld [tilespmem:s15+$0xEC80];
	v0 =	vadd.f32 v1, v0  }
0x189: {  	v1 =	vld [tilespmem:s16+$0x11E80]  }
0x18a: {  	v2 =	vadd.f32 v6, v2;
	v6 =	vld [tilespmem:s15+$0xED00];
	v0 =	vadd.f32 v3, v0  }
0x18b: {  	v3 =	vld [tilespmem:s16+$0x11F00]  }
0x18c: {  	v2 =	vadd.f32 v7, v2;
	v7 =	vld [tilespmem:s15+$0xED80];
	v0 =	vadd.f32 v4, v0  }
0x18d: {  	v4 =	vld [tilespmem:s16+$0x11F80]  }
0x18e: {  	v2 =	vadd.f32 v5, v2;
	v5 =	vld [tilespmem:s15+$0xEE00];
	v0 =	vadd.f32 v1, v0  }
0x18f: {  	v1 =	vld [tilespmem:s16+$0x12000]  }
0x190: {  	v2 =	vadd.f32 v6, v2;
	v6 =	vld [tilespmem:s15+$0xEE80];
	v0 =	vadd.f32 v3, v0  }
0x191: {  	v3 =	vld [tilespmem:s16+$0x12080]  }
0x192: {  	v2 =	vadd.f32 v7, v2;
	v7 =	vld [tilespmem:s15+$0xEF00];
	v0 =	vadd.f32 v4, v0  }
0x193: {  	v4 =	vld [tilespmem:s16+$0x12100]  }
0x194: {  	v2 =	vadd.f32 v5, v2;
	v5 =	vld [tilespmem:s15+$0xEF80];
	v0 =	vadd.f32 v1, v0  }
0x195: {  	v1 =	vld [tilespmem:s16+$0x12180]  }
0x196: {  	v2 =	vadd.f32 v6, v2;
	v6 =	vld [tilespmem:s15+$0xF000];
	v0 =	vadd.f32 v3, v0  }
0x197: {  	v3 =	vld [tilespmem:s16+$0x12200]  }
0x198: {  	v2 =	vadd.f32 v7, v2;
	v7 =	vld [tilespmem:s15+$0xF080];
	v0 =	vadd.f32 v4, v0  }
0x199: {  	v4 =	vld [tilespmem:s16+$0x12280]  }
0x19a: {  	v2 =	vadd.f32 v5, v2;
	v5 =	vld [tilespmem:s15+$0xF100];
	v0 =	vadd.f32 v1, v0  }
0x19b: {  	v1 =	vld [tilespmem:s16+$0x12300]  }
0x19c: {  	v2 =	vadd.f32 v6, v2;
	v6 =	vld [tilespmem:s15+$0xF180];
	v0 =	vadd.f32 v3, v0  }
0x19d: {  	v3 =	vld [tilespmem:s16+$0x12380]  }
0x19e: {  	v2 =	vadd.f32 v7, v2;
	v7 =	vld [tilespmem:s15+$0xF200];
	v0 =	vadd.f32 v4, v0  }
0x19f: {  	v4 =	vld [tilespmem:s16+$0x12400]  }
0x1a0: {  	v2 =	vadd.f32 v5, v2;
	v5 =	vld [tilespmem:s15+$0xF280];
	v0 =	vadd.f32 v1, v0  }
0x1a1: {  	v1 =	vld [tilespmem:s16+$0x12480]  }
0x1a2: {  	v2 =	vadd.f32 v6, v2;
	v6 =	vld [tilespmem:s15+$0xF300];
	v0 =	vadd.f32 v3, v0  }
0x1a3: {  	v3 =	vld [tilespmem:s16+$0x12500]  }
0x1a4: {  	v2 =	vadd.f32 v7, v2;
	v7 =	vld [tilespmem:s15+$0xF380];
	v0 =	vadd.f32 v4, v0  }
0x1a5: {  	v4 =	vld [tilespmem:s16+$0x12580]  }
0x1a6: {  	v2 =	vadd.f32 v5, v2;
	v5 =	vld [tilespmem:s15+$0xF400];
	v0 =	vadd.f32 v1, v0  }
0x1a7: {  	v1 =	vld [tilespmem:s16+$0x12600]  }
0x1a8: {  	v2 =	vadd.f32 v6, v2;
	v6 =	vld [tilespmem:s15+$0xF480];
	v0 =	vadd.f32 v3, v0  }
0x1a9: {  	v3 =	vld [tilespmem:s16+$0x12680]  }
0x1aa: {  	v2 =	vadd.f32 v7, v2;
	v7 =	vld [tilespmem:s15+$0xF500];
	v0 =	vadd.f32 v4, v0  }
0x1ab: {  	v4 =	vld [tilespmem:s16+$0x12700]  }
0x1ac: {  	v2 =	vadd.f32 v5, v2;
	v5 =	vld [tilespmem:s15+$0xF580];
	v0 =	vadd.f32 v1, v0  }
0x1ad: {  	v1 =	vld [tilespmem:s16+$0x12780]  }
0x1ae: {  	v2 =	vadd.f32 v6, v2;
	v6 =	vld [tilespmem:s15+$0xF600];
	v0 =	vadd.f32 v3, v0  }
0x1af: {  	v3 =	vld [tilespmem:s16+$0x12800]  }
0x1b0: {  	v2 =	vadd.f32 v7, v2;
	v7 =	vld [tilespmem:s15+$0xF680];
	v0 =	vadd.f32 v4, v0  }
0x1b1: {  	v4 =	vld [tilespmem:s16+$0x12880]  }
0x1b2: {  	v2 =	vadd.f32 v5, v2;
	v5 =	vld [tilespmem:s15+$0xF700];
	v0 =	vadd.f32 v1, v0  }
0x1b3: {  	v1 =	vld [tilespmem:s16+$0x12900]  }
0x1b4: {  	v2 =	vadd.f32 v6, v2;
	v6 =	vld [tilespmem:s15+$0xF780];
	v0 =	vadd.f32 v3, v0  }
0x1b5: {  	v3 =	vld [tilespmem:s16+$0x12980]  }
0x1b6: {  	v2 =	vadd.f32 v7, v2;
	v7 =	vld [tilespmem:s15+$0xF800];
	v0 =	vadd.f32 v4, v0  }
0x1b7: {  	v4 =	vld [tilespmem:s16+$0x12A00]  }
0x1b8: {  	v8 =	vld [tilespmem:s15+$0xF880];
	v2 =	vadd.f32 v5, v2;
	v0 =	vadd.f32 v1, v0  }
0x1b9: {  	v5 =	vld [tilespmem:s16+$0x12A80]  }
0x1ba: {  	v9 =	vld [tilespmem:s15+$0xF900];
	v1 =	vadd.f32 v6, v2;
	v0 =	vadd.f32 v3, v0  }
0x1bb: {  	v6 =	vld [tilespmem:s16+$0x12B00]  }
0x1bc: {  	v3 =	vld [tilespmem:s15+$0xF980];
	v2 =	vadd.f32 v7, v1;
	v4 =	vadd.f32 v4, v0  }
0x1bd: {  	v1 =	vld [tilespmem:s16+$0x12B80]  }
0x1be: {  	v0 =	vld [tilespmem:s15+$0xFA80];
	v7 =	vadd.f32 v8, v2;
	v8 =	vadd.f32 v5, v4  }
0x1bf: {  	s17 =	simm.s32 $0x20;
	v4 =	vld [tilespmem:s15+$0xFA00]  }
0x1c0: {  	s18 =	simm.s32 $0x3;
	v2 =	vld [tilespmem:s17+$0xC800];
	v5 =	vadd.f32 v9, v7;
	v6 =	vadd.f32 v6, v8  }
.LBB2_4:
0x1c1: {  	p0 =	sne.s32 s18, $0x7;
	v7 =	vld [tilespmem:s17+$0xC880]  }
0x1c2: {  	v3 =	vadd.f32 v3, v5;
	v5 =	vld [tilespmem:s15+$0xFB00];
	v1 =	vadd.f32 v1, v6  }
0x1c3: {  	v6 =	vld [tilespmem:s17+$0xC900]  }
0x1c4: {  	v3 =	vadd.f32 v4, v3;
	v4 =	vld [tilespmem:s15+$0xFB80];
	v1 =	vmul.f32 $4.999999890e-03, v1  }
0x1c5: {  	v8 =	vld [tilespmem:s17+$0xC980]  }
0x1c6: {  	v2 =	vadd.f32 v7, v2;
	v0 =	vadd.f32 v0, v3;
	v3 =	vld [tilespmem:s15+$0xFC00];
	[tilespmem:s16+$0x12C00] =	vst v1;
	s16 =	smov.u32 s15;
	s15 =	smov.u32 s17  }
0x1c7: {  	v1 =	vld [tilespmem:s15+$0xCA00]  }
0x1c8: {  	v2 =	vadd.f32 v6, v2;
	v0 =	vadd.f32 v5, v0;
	v5 =	vld [tilespmem:s16+$0xFC80]  }
0x1c9: {  	v6 =	vld [tilespmem:s15+$0xCA80]  }
0x1ca: {  	v2 =	vadd.f32 v8, v2;
	v0 =	vadd.f32 v4, v0;
	v4 =	vld [tilespmem:s16+$0xFD00]  }
0x1cb: {  	v7 =	vld [tilespmem:s15+$0xCB00]  }
0x1cc: {  	v1 =	vadd.f32 v1, v2;
	v0 =	vadd.f32 v3, v0;
	v2 =	vld [tilespmem:s16+$0xFD80]  }
0x1cd: {  	v3 =	vld [tilespmem:s15+$0xCB80]  }
0x1ce: {  	v1 =	vadd.f32 v6, v1;
	v0 =	vadd.f32 v5, v0;
	v5 =	vld [tilespmem:s16+$0xFE00]  }
0x1cf: {  	v6 =	vld [tilespmem:s15+$0xCC00]  }
0x1d0: {  	v1 =	vadd.f32 v7, v1;
	v0 =	vadd.f32 v4, v0;
	v4 =	vld [tilespmem:s16+$0xFE80]  }
0x1d1: {  	v7 =	vld [tilespmem:s15+$0xCC80]  }
0x1d2: {  	v1 =	vadd.f32 v3, v1;
	v0 =	vadd.f32 v2, v0;
	v2 =	vld [tilespmem:s16+$0xFF00]  }
0x1d3: {  	v3 =	vld [tilespmem:s15+$0xCD00]  }
0x1d4: {  	v1 =	vadd.f32 v6, v1;
	v0 =	vadd.f32 v5, v0;
	v5 =	vld [tilespmem:s16+$0xFF80]  }
0x1d5: {  	v6 =	vld [tilespmem:s15+$0xCD80]  }
0x1d6: {  	v1 =	vadd.f32 v7, v1;
	v0 =	vadd.f32 v4, v0;
	v4 =	vld [tilespmem:s16+$0x10000]  }
0x1d7: {  	v7 =	vld [tilespmem:s15+$0xCE00]  }
0x1d8: {  	v1 =	vadd.f32 v3, v1;
	v0 =	vadd.f32 v2, v0;
	v2 =	vld [tilespmem:s16+$0x10080]  }
0x1d9: {  	v3 =	vld [tilespmem:s15+$0xCE80]  }
0x1da: {  	v1 =	vadd.f32 v6, v1;
	v0 =	vadd.f32 v5, v0;
	v5 =	vld [tilespmem:s16+$0x10100]  }
0x1db: {  	v6 =	vld [tilespmem:s15+$0xCF00]  }
0x1dc: {  	v1 =	vadd.f32 v7, v1;
	v0 =	vadd.f32 v4, v0;
	v4 =	vld [tilespmem:s16+$0x10180]  }
0x1dd: {  	v7 =	vld [tilespmem:s15+$0xCF80]  }
0x1de: {  	v1 =	vadd.f32 v3, v1;
	v0 =	vadd.f32 v2, v0;
	v2 =	vld [tilespmem:s16+$0x10200]  }
0x1df: {  	v3 =	vld [tilespmem:s15+$0xD000]  }
0x1e0: {  	v1 =	vadd.f32 v6, v1;
	v0 =	vadd.f32 v5, v0;
	v5 =	vld [tilespmem:s16+$0x10280]  }
0x1e1: {  	v6 =	vld [tilespmem:s15+$0xD080]  }
0x1e2: {  	v1 =	vadd.f32 v7, v1;
	v0 =	vadd.f32 v4, v0;
	v4 =	vld [tilespmem:s16+$0x10300]  }
0x1e3: {  	v7 =	vld [tilespmem:s15+$0xD100]  }
0x1e4: {  	v1 =	vadd.f32 v3, v1;
	v0 =	vadd.f32 v2, v0;
	v2 =	vld [tilespmem:s16+$0x10380]  }
0x1e5: {  	v3 =	vld [tilespmem:s15+$0xD180]  }
0x1e6: {  	v1 =	vadd.f32 v6, v1;
	v0 =	vadd.f32 v5, v0;
	v5 =	vld [tilespmem:s16+$0x10400]  }
0x1e7: {  	v6 =	vld [tilespmem:s15+$0xD200]  }
0x1e8: {  	v1 =	vadd.f32 v7, v1;
	v0 =	vadd.f32 v4, v0;
	v4 =	vld [tilespmem:s16+$0x10480]  }
0x1e9: {  	v7 =	vld [tilespmem:s15+$0xD280]  }
0x1ea: {  	v1 =	vadd.f32 v3, v1;
	v0 =	vadd.f32 v2, v0;
	v2 =	vld [tilespmem:s16+$0x10500]  }
0x1eb: {  	v3 =	vld [tilespmem:s15+$0xD300]  }
0x1ec: {  	v1 =	vadd.f32 v6, v1;
	v0 =	vadd.f32 v5, v0;
	v5 =	vld [tilespmem:s16+$0x10580]  }
0x1ed: {  	v6 =	vld [tilespmem:s15+$0xD380]  }
0x1ee: {  	v1 =	vadd.f32 v7, v1;
	v0 =	vadd.f32 v4, v0;
	v4 =	vld [tilespmem:s16+$0x10600]  }
0x1ef: {  	v7 =	vld [tilespmem:s15+$0xD400]  }
0x1f0: {  	v1 =	vadd.f32 v3, v1;
	v0 =	vadd.f32 v2, v0;
	v2 =	vld [tilespmem:s16+$0x10680]  }
0x1f1: {  	v3 =	vld [tilespmem:s15+$0xD480]  }
0x1f2: {  	v1 =	vadd.f32 v6, v1;
	v0 =	vadd.f32 v5, v0;
	v5 =	vld [tilespmem:s16+$0x10700]  }
0x1f3: {  	v6 =	vld [tilespmem:s15+$0xD500]  }
0x1f4: {  	v1 =	vadd.f32 v7, v1;
	v0 =	vadd.f32 v4, v0;
	v4 =	vld [tilespmem:s16+$0x10780]  }
0x1f5: {  	v7 =	vld [tilespmem:s15+$0xD580]  }
0x1f6: {  	v1 =	vadd.f32 v3, v1;
	v0 =	vadd.f32 v2, v0;
	v2 =	vld [tilespmem:s16+$0x10800]  }
0x1f7: {  	v3 =	vld [tilespmem:s15+$0xD600]  }
0x1f8: {  	v1 =	vadd.f32 v6, v1;
	v0 =	vadd.f32 v5, v0;
	v5 =	vld [tilespmem:s16+$0x10880]  }
0x1f9: {  	v6 =	vld [tilespmem:s15+$0xD680]  }
0x1fa: {  	v1 =	vadd.f32 v7, v1;
	v0 =	vadd.f32 v4, v0;
	v4 =	vld [tilespmem:s16+$0x10900]  }
0x1fb: {  	v7 =	vld [tilespmem:s15+$0xD700]  }
0x1fc: {  	v1 =	vadd.f32 v3, v1;
	v0 =	vadd.f32 v2, v0;
	v2 =	vld [tilespmem:s16+$0x10980]  }
0x1fd: {  	v3 =	vld [tilespmem:s15+$0xD780]  }
0x1fe: {  	v1 =	vadd.f32 v6, v1;
	v0 =	vadd.f32 v5, v0;
	v5 =	vld [tilespmem:s16+$0x10A00]  }
0x1ff: {  	v6 =	vld [tilespmem:s15+$0xD800]  }
0x200: {  	v1 =	vadd.f32 v7, v1;
	v0 =	vadd.f32 v4, v0;
	v4 =	vld [tilespmem:s16+$0x10A80]  }
0x201: {  	v7 =	vld [tilespmem:s15+$0xD880]  }
0x202: {  	v1 =	vadd.f32 v3, v1;
	v0 =	vadd.f32 v2, v0;
	v2 =	vld [tilespmem:s16+$0x10B00]  }
0x203: {  	v3 =	vld [tilespmem:s15+$0xD900]  }
0x204: {  	v1 =	vadd.f32 v6, v1;
	v0 =	vadd.f32 v5, v0;
	v5 =	vld [tilespmem:s16+$0x10B80]  }
0x205: {  	v6 =	vld [tilespmem:s15+$0xD980]  }
0x206: {  	v1 =	vadd.f32 v7, v1;
	v0 =	vadd.f32 v4, v0;
	v4 =	vld [tilespmem:s16+$0x10C00]  }
0x207: {  	v7 =	vld [tilespmem:s15+$0xDA00]  }
0x208: {  	v1 =	vadd.f32 v3, v1;
	v0 =	vadd.f32 v2, v0;
	v2 =	vld [tilespmem:s16+$0x10C80]  }
0x209: {  	v3 =	vld [tilespmem:s15+$0xDA80]  }
0x20a: {  	v1 =	vadd.f32 v6, v1;
	v0 =	vadd.f32 v5, v0;
	v5 =	vld [tilespmem:s16+$0x10D00]  }
0x20b: {  	v6 =	vld [tilespmem:s15+$0xDB00]  }
0x20c: {  	v1 =	vadd.f32 v7, v1;
	v0 =	vadd.f32 v4, v0;
	v4 =	vld [tilespmem:s16+$0x10D80]  }
0x20d: {  	v7 =	vld [tilespmem:s15+$0xDB80]  }
0x20e: {  	v1 =	vadd.f32 v3, v1;
	v0 =	vadd.f32 v2, v0;
	v2 =	vld [tilespmem:s16+$0x10E00]  }
0x20f: {  	v3 =	vld [tilespmem:s15+$0xDC00]  }
0x210: {  	v1 =	vadd.f32 v6, v1;
	v0 =	vadd.f32 v5, v0;
	v5 =	vld [tilespmem:s16+$0x10E80]  }
0x211: {  	v6 =	vld [tilespmem:s15+$0xDC80]  }
0x212: {  	v1 =	vadd.f32 v7, v1;
	v0 =	vadd.f32 v4, v0;
	v4 =	vld [tilespmem:s16+$0x10F00]  }
0x213: {  	v7 =	vld [tilespmem:s15+$0xDD00]  }
0x214: {  	v1 =	vadd.f32 v3, v1;
	v0 =	vadd.f32 v2, v0;
	v2 =	vld [tilespmem:s16+$0x10F80]  }
0x215: {  	v3 =	vld [tilespmem:s15+$0xDD80]  }
0x216: {  	v1 =	vadd.f32 v6, v1;
	v0 =	vadd.f32 v5, v0;
	v5 =	vld [tilespmem:s16+$0x11000]  }
0x217: {  	v6 =	vld [tilespmem:s15+$0xDE00]  }
0x218: {  	v1 =	vadd.f32 v7, v1;
	v0 =	vadd.f32 v4, v0;
	v4 =	vld [tilespmem:s16+$0x11080]  }
0x219: {  	v7 =	vld [tilespmem:s15+$0xDE80]  }
0x21a: {  	v1 =	vadd.f32 v3, v1;
	v0 =	vadd.f32 v2, v0;
	v2 =	vld [tilespmem:s16+$0x11100]  }
0x21b: {  	v3 =	vld [tilespmem:s15+$0xDF00]  }
0x21c: {  	v1 =	vadd.f32 v6, v1;
	v0 =	vadd.f32 v5, v0;
	v5 =	vld [tilespmem:s16+$0x11180]  }
0x21d: {  	v6 =	vld [tilespmem:s15+$0xDF80]  }
0x21e: {  	v1 =	vadd.f32 v7, v1;
	v0 =	vadd.f32 v4, v0;
	v4 =	vld [tilespmem:s16+$0x11200]  }
0x21f: {  	v7 =	vld [tilespmem:s15+$0xE000]  }
0x220: {  	v1 =	vadd.f32 v3, v1;
	v0 =	vadd.f32 v2, v0;
	v2 =	vld [tilespmem:s16+$0x11280]  }
0x221: {  	v3 =	vld [tilespmem:s15+$0xE080]  }
0x222: {  	v1 =	vadd.f32 v6, v1;
	v0 =	vadd.f32 v5, v0;
	v5 =	vld [tilespmem:s16+$0x11300]  }
0x223: {  	v6 =	vld [tilespmem:s15+$0xE100]  }
0x224: {  	v1 =	vadd.f32 v7, v1;
	v0 =	vadd.f32 v4, v0;
	v4 =	vld [tilespmem:s16+$0x11380]  }
0x225: {  	v7 =	vld [tilespmem:s15+$0xE180]  }
0x226: {  	v1 =	vadd.f32 v3, v1;
	v0 =	vadd.f32 v2, v0;
	v2 =	vld [tilespmem:s16+$0x11400]  }
0x227: {  	v3 =	vld [tilespmem:s15+$0xE200]  }
0x228: {  	v1 =	vadd.f32 v6, v1;
	v0 =	vadd.f32 v5, v0;
	v5 =	vld [tilespmem:s16+$0x11480]  }
0x229: {  	v6 =	vld [tilespmem:s15+$0xE280]  }
0x22a: {  	v1 =	vadd.f32 v7, v1;
	v0 =	vadd.f32 v4, v0;
	v4 =	vld [tilespmem:s16+$0x11500]  }
0x22b: {  	v7 =	vld [tilespmem:s15+$0xE300]  }
0x22c: {  	v1 =	vadd.f32 v3, v1;
	v0 =	vadd.f32 v2, v0;
	v2 =	vld [tilespmem:s16+$0x11580]  }
0x22d: {  	v3 =	vld [tilespmem:s15+$0xE380]  }
0x22e: {  	v1 =	vadd.f32 v6, v1;
	v0 =	vadd.f32 v5, v0;
	v5 =	vld [tilespmem:s16+$0x11600]  }
0x22f: {  	v6 =	vld [tilespmem:s15+$0xE400]  }
0x230: {  	v1 =	vadd.f32 v7, v1;
	v0 =	vadd.f32 v4, v0;
	v4 =	vld [tilespmem:s16+$0x11680]  }
0x231: {  	v7 =	vld [tilespmem:s15+$0xE480]  }
0x232: {  	v1 =	vadd.f32 v3, v1;
	v0 =	vadd.f32 v2, v0;
	v2 =	vld [tilespmem:s16+$0x11700]  }
0x233: {  	v3 =	vld [tilespmem:s15+$0xE500]  }
0x234: {  	v1 =	vadd.f32 v6, v1;
	v0 =	vadd.f32 v5, v0;
	v5 =	vld [tilespmem:s16+$0x11780]  }
0x235: {  	v6 =	vld [tilespmem:s15+$0xE580]  }
0x236: {  	v1 =	vadd.f32 v7, v1;
	v0 =	vadd.f32 v4, v0;
	v4 =	vld [tilespmem:s16+$0x11800]  }
0x237: {  	v7 =	vld [tilespmem:s15+$0xE600]  }
0x238: {  	v1 =	vadd.f32 v3, v1;
	v0 =	vadd.f32 v2, v0;
	v2 =	vld [tilespmem:s16+$0x11880]  }
0x239: {  	v3 =	vld [tilespmem:s15+$0xE680]  }
0x23a: {  	v1 =	vadd.f32 v6, v1;
	v0 =	vadd.f32 v5, v0;
	v5 =	vld [tilespmem:s16+$0x11900]  }
0x23b: {  	v6 =	vld [tilespmem:s15+$0xE700]  }
0x23c: {  	v1 =	vadd.f32 v7, v1;
	v0 =	vadd.f32 v4, v0;
	v4 =	vld [tilespmem:s16+$0x11980]  }
0x23d: {  	v7 =	vld [tilespmem:s15+$0xE780]  }
0x23e: {  	v1 =	vadd.f32 v3, v1;
	v0 =	vadd.f32 v2, v0;
	v2 =	vld [tilespmem:s16+$0x11A00]  }
0x23f: {  	v3 =	vld [tilespmem:s15+$0xE800]  }
0x240: {  	v1 =	vadd.f32 v6, v1;
	v0 =	vadd.f32 v5, v0;
	v5 =	vld [tilespmem:s16+$0x11A80]  }
0x241: {  	v6 =	vld [tilespmem:s15+$0xE880]  }
0x242: {  	v1 =	vadd.f32 v7, v1;
	v0 =	vadd.f32 v4, v0;
	v4 =	vld [tilespmem:s16+$0x11B00]  }
0x243: {  	v7 =	vld [tilespmem:s15+$0xE900]  }
0x244: {  	v1 =	vadd.f32 v3, v1;
	v0 =	vadd.f32 v2, v0;
	v2 =	vld [tilespmem:s16+$0x11B80]  }
0x245: {  	v3 =	vld [tilespmem:s15+$0xE980]  }
0x246: {  	v1 =	vadd.f32 v6, v1;
	v0 =	vadd.f32 v5, v0;
	v5 =	vld [tilespmem:s16+$0x11C00]  }
0x247: {  	v6 =	vld [tilespmem:s15+$0xEA00]  }
0x248: {  	v1 =	vadd.f32 v7, v1;
	v0 =	vadd.f32 v4, v0;
	v4 =	vld [tilespmem:s16+$0x11C80]  }
0x249: {  	v7 =	vld [tilespmem:s15+$0xEA80]  }
0x24a: {  	v1 =	vadd.f32 v3, v1;
	v0 =	vadd.f32 v2, v0;
	v2 =	vld [tilespmem:s16+$0x11D00]  }
0x24b: {  	v3 =	vld [tilespmem:s15+$0xEB00]  }
0x24c: {  	v1 =	vadd.f32 v6, v1;
	v0 =	vadd.f32 v5, v0;
	v5 =	vld [tilespmem:s16+$0x11D80]  }
0x24d: {  	v6 =	vld [tilespmem:s15+$0xEB80]  }
0x24e: {  	v1 =	vadd.f32 v7, v1;
	v0 =	vadd.f32 v4, v0;
	v4 =	vld [tilespmem:s16+$0x11E00]  }
0x24f: {  	v7 =	vld [tilespmem:s15+$0xEC00]  }
0x250: {  	v1 =	vadd.f32 v3, v1;
	v0 =	vadd.f32 v2, v0;
	v2 =	vld [tilespmem:s16+$0x11E80]  }
0x251: {  	v3 =	vld [tilespmem:s15+$0xEC80]  }
0x252: {  	v1 =	vadd.f32 v6, v1;
	v0 =	vadd.f32 v5, v0;
	v5 =	vld [tilespmem:s16+$0x11F00]  }
0x253: {  	v6 =	vld [tilespmem:s15+$0xED00]  }
0x254: {  	v1 =	vadd.f32 v7, v1;
	v0 =	vadd.f32 v4, v0;
	v4 =	vld [tilespmem:s16+$0x11F80]  }
0x255: {  	v7 =	vld [tilespmem:s15+$0xED80]  }
0x256: {  	v1 =	vadd.f32 v3, v1;
	v0 =	vadd.f32 v2, v0;
	v2 =	vld [tilespmem:s16+$0x12000]  }
0x257: {  	v3 =	vld [tilespmem:s15+$0xEE00]  }
0x258: {  	v1 =	vadd.f32 v6, v1;
	v0 =	vadd.f32 v5, v0;
	v5 =	vld [tilespmem:s16+$0x12080]  }
0x259: {  	v6 =	vld [tilespmem:s15+$0xEE80]  }
0x25a: {  	v1 =	vadd.f32 v7, v1;
	v0 =	vadd.f32 v4, v0;
	v4 =	vld [tilespmem:s16+$0x12100]  }
0x25b: {  	v7 =	vld [tilespmem:s15+$0xEF00]  }
0x25c: {  	v1 =	vadd.f32 v3, v1;
	v0 =	vadd.f32 v2, v0;
	v2 =	vld [tilespmem:s16+$0x12180]  }
0x25d: {  	v3 =	vld [tilespmem:s15+$0xEF80]  }
0x25e: {  	v1 =	vadd.f32 v6, v1;
	v0 =	vadd.f32 v5, v0;
	v5 =	vld [tilespmem:s16+$0x12200]  }
0x25f: {  	v6 =	vld [tilespmem:s15+$0xF000]  }
0x260: {  	v1 =	vadd.f32 v7, v1;
	v0 =	vadd.f32 v4, v0;
	v4 =	vld [tilespmem:s16+$0x12280]  }
0x261: {  	v7 =	vld [tilespmem:s15+$0xF080]  }
0x262: {  	v1 =	vadd.f32 v3, v1;
	v0 =	vadd.f32 v2, v0;
	v2 =	vld [tilespmem:s16+$0x12300]  }
0x263: {  	v3 =	vld [tilespmem:s15+$0xF100]  }
0x264: {  	v1 =	vadd.f32 v6, v1;
	v0 =	vadd.f32 v5, v0;
	v5 =	vld [tilespmem:s16+$0x12380]  }
0x265: {  	v6 =	vld [tilespmem:s15+$0xF180]  }
0x266: {  	v1 =	vadd.f32 v7, v1;
	v0 =	vadd.f32 v4, v0;
	v4 =	vld [tilespmem:s16+$0x12400]  }
0x267: {  	v7 =	vld [tilespmem:s15+$0xF200]  }
0x268: {  	v1 =	vadd.f32 v3, v1;
	v0 =	vadd.f32 v2, v0;
	v2 =	vld [tilespmem:s16+$0x12480]  }
0x269: {  	v3 =	vld [tilespmem:s15+$0xF280]  }
0x26a: {  	v1 =	vadd.f32 v6, v1;
	v0 =	vadd.f32 v5, v0;
	v5 =	vld [tilespmem:s16+$0x12500]  }
0x26b: {  	v6 =	vld [tilespmem:s15+$0xF300]  }
0x26c: {  	v1 =	vadd.f32 v7, v1;
	v0 =	vadd.f32 v4, v0;
	v4 =	vld [tilespmem:s16+$0x12580]  }
0x26d: {  	v7 =	vld [tilespmem:s15+$0xF380]  }
0x26e: {  	v1 =	vadd.f32 v3, v1;
	v0 =	vadd.f32 v2, v0;
	v2 =	vld [tilespmem:s16+$0x12600]  }
0x26f: {  	v3 =	vld [tilespmem:s15+$0xF400]  }
0x270: {  	v1 =	vadd.f32 v6, v1;
	v0 =	vadd.f32 v5, v0;
	v5 =	vld [tilespmem:s16+$0x12680]  }
0x271: {  	v6 =	vld [tilespmem:s15+$0xF480]  }
0x272: {  	v1 =	vadd.f32 v7, v1;
	v0 =	vadd.f32 v4, v0;
	v4 =	vld [tilespmem:s16+$0x12700]  }
0x273: {  	v7 =	vld [tilespmem:s15+$0xF500]  }
0x274: {  	v1 =	vadd.f32 v3, v1;
	v0 =	vadd.f32 v2, v0;
	v2 =	vld [tilespmem:s16+$0x12780]  }
0x275: {  	v3 =	vld [tilespmem:s15+$0xF580]  }
0x276: {  	v1 =	vadd.f32 v6, v1;
	v0 =	vadd.f32 v5, v0;
	v5 =	vld [tilespmem:s16+$0x12800]  }
0x277: {  	v6 =	vld [tilespmem:s15+$0xF600]  }
0x278: {  	v1 =	vadd.f32 v7, v1;
	v0 =	vadd.f32 v4, v0;
	v4 =	vld [tilespmem:s16+$0x12880]  }
0x279: {  	v7 =	vld [tilespmem:s15+$0xF680]  }
0x27a: {  	v1 =	vadd.f32 v3, v1;
	v0 =	vadd.f32 v2, v0;
	v2 =	vld [tilespmem:s16+$0x12900]  }
0x27b: {  	v3 =	vld [tilespmem:s15+$0xF700]  }
0x27c: {  	v1 =	vadd.f32 v6, v1;
	v0 =	vadd.f32 v5, v0;
	v5 =	vld [tilespmem:s16+$0x12980]  }
0x27d: {  	v6 =	vld [tilespmem:s15+$0xF780]  }
0x27e: {  	v1 =	vadd.f32 v7, v1;
	v0 =	vadd.f32 v4, v0;
	v4 =	vld [tilespmem:s16+$0x12A00]  }
0x27f: {  	v7 =	vld [tilespmem:s15+$0xF800]  }
0x280: {  	v1 =	vadd.f32 v3, v1;
	v0 =	vadd.f32 v2, v0;
	v2 =	vld [tilespmem:s16+$0x12A80]  }
0x281: {  	v8 =	vld [tilespmem:s15+$0xF880]  }
0x282: {  	v1 =	vadd.f32 v6, v1;
	v0 =	vadd.f32 v5, v0;
	v6 =	vld [tilespmem:s16+$0x12B00]  }
0x283: {  	v5 =	vld [tilespmem:s15+$0xF900]  }
.Ltmp1:
0x284: {  	v7 =	vadd.f32 v7, v1;
	v4 =	vadd.f32 v4, v0;
	v1 =	vld [tilespmem:s16+$0x12B80];
	(pc) =	sbr.rel @p0 .LBB2_4-.Ltmp1, $4  }
0x285: {  	v3 =	vld [tilespmem:s15+$0xF980]  }
0x286: {  	v7 =	vadd.f32 v8, v7;
	v0 =	vld [tilespmem:s15+$0xFA80];
	v8 =	vadd.f32 v2, v4  }
0x287: {  	s17 =	sshll.u32 s18, $0x4;
	v4 =	vld [tilespmem:s15+$0xFA00]  }
0x288: {  	s18 =	sadd.s32 $0x1, s18;
	v2 =	vld [tilespmem:s17+$0xC800];
	v5 =	vadd.f32 v5, v7;
	v6 =	vadd.f32 v6, v8  }
0x289: {  	v7 =	vld [tilespmem:s17+$0xC880]  }
0x28a: {  	v8 =	vld [tilespmem:s15+$0xFB00];
	v1 =	vadd.f32 v1, v6  }
0x28b: {  	v49 =	vld [tilespmem:s17+$0xC900]  }
0x28c: {  	v9 =	vld [tilespmem:s15+$0xFB80];
	v3 =	vadd.f32 v3, v5;
	v1 =	vmul.f32 $4.999999890e-03, v1  }
0x28d: {  	v50 =	vld [tilespmem:s17+$0xC980]  }
0x28e: {  	v10 =	vld [tilespmem:s15+$0xFC00];
	v3 =	vadd.f32 v4, v3;
	v2 =	vadd.f32 v7, v2;
	[tilespmem:s16+$0x12C00] =	vst v1  }
0x28f: {  	v1 =	vld [tilespmem:s17+$0xCA00]  }
0x290: {  	v0 =	vadd.f32 v0, v3;
	v2 =	vadd.f32 v49, v2  }
0x291: {  	v51 =	vld [tilespmem:s17+$0xCA80]  }
0x292: {  	v52 =	vld [tilespmem:s15+$0xFC80];
	v0 =	vadd.f32 v8, v0;
	v2 =	vadd.f32 v50, v2  }
0x293: {  	v53 =	vld [tilespmem:s17+$0xCB00]  }
0x294: {  	v54 =	vld [tilespmem:s15+$0xFD00];
	v0 =	vadd.f32 v9, v0;
	v1 =	vadd.f32 v1, v2  }
0x295: {  	v55 =	vld [tilespmem:s17+$0xCB80]  }
0x296: {  	v56 =	vld [tilespmem:s15+$0xFD80];
	v0 =	vadd.f32 v10, v0;
	v1 =	vadd.f32 v51, v1  }
0x297: {  	v57 =	vld [tilespmem:s17+$0xCC00]  }
0x298: {  	v58 =	vld [tilespmem:s15+$0xFE00];
	v0 =	vadd.f32 v52, v0;
	v1 =	vadd.f32 v53, v1  }
0x299: {  	v59 =	vld [tilespmem:s17+$0xCC80]  }
0x29a: {  	v60 =	vld [tilespmem:s15+$0xFE80];
	v0 =	vadd.f32 v54, v0;
	v1 =	vadd.f32 v55, v1  }
0x29b: {  	v61 =	vld [tilespmem:s17+$0xCD00]  }
0x29c: {  	v62 =	vld [tilespmem:s15+$0xFF00];
	v0 =	vadd.f32 v56, v0;
	v1 =	vadd.f32 v57, v1  }
0x29d: {  	v63 =	vld [tilespmem:s17+$0xCD80]  }
0x29e: {  	v9 =	vld [tilespmem:s15+$0xFF80];
	v0 =	vadd.f32 v58, v0;
	v1 =	vadd.f32 v59, v1  }
0x29f: {  	v10 =	vld [tilespmem:s17+$0xCE00]  }
0x2a0: {  	v11 =	vld [tilespmem:s15+$0x10000];
	v0 =	vadd.f32 v60, v0;
	v1 =	vadd.f32 v61, v1  }
0x2a1: {  	v12 =	vld [tilespmem:s17+$0xCE80]  }
0x2a2: {  	v13 =	vld [tilespmem:s15+$0x10080];
	v0 =	vadd.f32 v62, v0;
	v1 =	vadd.f32 v63, v1  }
0x2a3: {  	v14 =	vld [tilespmem:s17+$0xCF00]  }
0x2a4: {  	v15 =	vld [tilespmem:s15+$0x10100];
	v0 =	vadd.f32 v9, v0;
	v1 =	vadd.f32 v10, v1  }
0x2a5: {  	v16 =	vld [tilespmem:s17+$0xCF80]  }
0x2a6: {  	v17 =	vld [tilespmem:s15+$0x10180];
	v0 =	vadd.f32 v11, v0;
	v1 =	vadd.f32 v12, v1  }
0x2a7: {  	v18 =	vld [tilespmem:s17+$0xD000]  }
0x2a8: {  	v19 =	vld [tilespmem:s15+$0x10200];
	v0 =	vadd.f32 v13, v0;
	v1 =	vadd.f32 v14, v1  }
0x2a9: {  	v20 =	vld [tilespmem:s17+$0xD080]  }
0x2aa: {  	v21 =	vld [tilespmem:s15+$0x10280];
	v0 =	vadd.f32 v15, v0;
	v1 =	vadd.f32 v16, v1  }
0x2ab: {  	v22 =	vld [tilespmem:s17+$0xD100]  }
0x2ac: {  	v23 =	vld [tilespmem:s15+$0x10300];
	v0 =	vadd.f32 v17, v0;
	v1 =	vadd.f32 v18, v1  }
0x2ad: {  	v24 =	vld [tilespmem:s17+$0xD180]  }
0x2ae: {  	v25 =	vld [tilespmem:s15+$0x10380];
	v0 =	vadd.f32 v19, v0;
	v1 =	vadd.f32 v20, v1  }
0x2af: {  	v26 =	vld [tilespmem:s17+$0xD200]  }
0x2b0: {  	v27 =	vld [tilespmem:s15+$0x10400];
	v0 =	vadd.f32 v21, v0;
	v1 =	vadd.f32 v22, v1  }
0x2b1: {  	v28 =	vld [tilespmem:s17+$0xD280]  }
0x2b2: {  	v29 =	vld [tilespmem:s15+$0x10480];
	v0 =	vadd.f32 v23, v0;
	v1 =	vadd.f32 v24, v1  }
0x2b3: {  	v30 =	vld [tilespmem:s17+$0xD300]  }
0x2b4: {  	v31 =	vld [tilespmem:s15+$0x10500];
	v0 =	vadd.f32 v25, v0;
	v1 =	vadd.f32 v26, v1  }
0x2b5: {  	v32 =	vld [tilespmem:s17+$0xD380]  }
0x2b6: {  	v33 =	vld [tilespmem:s15+$0x10580];
	v0 =	vadd.f32 v27, v0;
	v1 =	vadd.f32 v28, v1  }
0x2b7: {  	v34 =	vld [tilespmem:s17+$0xD400]  }
0x2b8: {  	v35 =	vld [tilespmem:s15+$0x10600];
	v0 =	vadd.f32 v29, v0;
	v1 =	vadd.f32 v30, v1  }
0x2b9: {  	v36 =	vld [tilespmem:s17+$0xD480]  }
0x2ba: {  	v37 =	vld [tilespmem:s15+$0x10680];
	v0 =	vadd.f32 v31, v0;
	v1 =	vadd.f32 v32, v1  }
0x2bb: {  	v38 =	vld [tilespmem:s17+$0xD500]  }
0x2bc: {  	v39 =	vld [tilespmem:s15+$0x10700];
	v0 =	vadd.f32 v33, v0;
	v1 =	vadd.f32 v34, v1  }
0x2bd: {  	v40 =	vld [tilespmem:s17+$0xD580]  }
0x2be: {  	v41 =	vld [tilespmem:s15+$0x10780];
	v0 =	vadd.f32 v35, v0;
	v1 =	vadd.f32 v36, v1  }
0x2bf: {  	v42 =	vld [tilespmem:s17+$0xD600]  }
0x2c0: {  	v43 =	vld [tilespmem:s15+$0x10800];
	v0 =	vadd.f32 v37, v0;
	v1 =	vadd.f32 v38, v1  }
0x2c1: {  	v44 =	vld [tilespmem:s17+$0xD680]  }
0x2c2: {  	v45 =	vld [tilespmem:s15+$0x10880];
	v0 =	vadd.f32 v39, v0;
	v1 =	vadd.f32 v40, v1  }
0x2c3: {  	v46 =	vld [tilespmem:s17+$0xD700]  }
0x2c4: {  	v47 =	vld [tilespmem:s15+$0x10900];
	v0 =	vadd.f32 v41, v0;
	v1 =	vadd.f32 v42, v1  }
0x2c5: {  	v48 =	vld [tilespmem:s17+$0xD780]  }
0x2c6: {  	v49 =	vld [tilespmem:s15+$0x10980];
	v0 =	vadd.f32 v43, v0;
	v1 =	vadd.f32 v44, v1  }
0x2c7: {  	v50 =	vld [tilespmem:s17+$0xD800]  }
0x2c8: {  	v51 =	vld [tilespmem:s15+$0x10A00];
	v0 =	vadd.f32 v45, v0;
	v1 =	vadd.f32 v46, v1  }
0x2c9: {  	v52 =	vld [tilespmem:s17+$0xD880]  }
0x2ca: {  	v53 =	vld [tilespmem:s15+$0x10A80];
	v0 =	vadd.f32 v47, v0;
	v1 =	vadd.f32 v48, v1  }
0x2cb: {  	v54 =	vld [tilespmem:s17+$0xD900]  }
0x2cc: {  	v55 =	vld [tilespmem:s15+$0x10B00];
	v0 =	vadd.f32 v49, v0;
	v1 =	vadd.f32 v50, v1  }
0x2cd: {  	v56 =	vld [tilespmem:s17+$0xD980]  }
0x2ce: {  	v57 =	vld [tilespmem:s15+$0x10B80];
	v0 =	vadd.f32 v51, v0;
	v1 =	vadd.f32 v52, v1  }
0x2cf: {  	v58 =	vld [tilespmem:s17+$0xDA00]  }
0x2d0: {  	v59 =	vld [tilespmem:s15+$0x10C00];
	v0 =	vadd.f32 v53, v0;
	v1 =	vadd.f32 v54, v1  }
0x2d1: {  	v60 =	vld [tilespmem:s17+$0xDA80]  }
0x2d2: {  	v61 =	vld [tilespmem:s15+$0x10C80];
	v0 =	vadd.f32 v55, v0;
	v1 =	vadd.f32 v56, v1  }
0x2d3: {  	v62 =	vld [tilespmem:s17+$0xDB00]  }
0x2d4: {  	v63 =	vld [tilespmem:s15+$0x10D00];
	v0 =	vadd.f32 v57, v0;
	v1 =	vadd.f32 v58, v1  }
0x2d5: {  	v9 =	vld [tilespmem:s17+$0xDB80]  }
0x2d6: {  	v10 =	vld [tilespmem:s15+$0x10D80];
	v0 =	vadd.f32 v59, v0;
	v1 =	vadd.f32 v60, v1  }
0x2d7: {  	v11 =	vld [tilespmem:s17+$0xDC00]  }
0x2d8: {  	v12 =	vld [tilespmem:s15+$0x10E00];
	v0 =	vadd.f32 v61, v0;
	v1 =	vadd.f32 v62, v1  }
0x2d9: {  	v13 =	vld [tilespmem:s17+$0xDC80]  }
0x2da: {  	v14 =	vld [tilespmem:s15+$0x10E80];
	v0 =	vadd.f32 v63, v0;
	v1 =	vadd.f32 v9, v1  }
0x2db: {  	v15 =	vld [tilespmem:s17+$0xDD00]  }
0x2dc: {  	v16 =	vld [tilespmem:s15+$0x10F00];
	v0 =	vadd.f32 v10, v0;
	v1 =	vadd.f32 v11, v1  }
0x2dd: {  	v17 =	vld [tilespmem:s17+$0xDD80]  }
0x2de: {  	v18 =	vld [tilespmem:s15+$0x10F80];
	v0 =	vadd.f32 v12, v0;
	v1 =	vadd.f32 v13, v1  }
0x2df: {  	v19 =	vld [tilespmem:s17+$0xDE00]  }
0x2e0: {  	v20 =	vld [tilespmem:s15+$0x11000];
	v0 =	vadd.f32 v14, v0;
	v1 =	vadd.f32 v15, v1  }
0x2e1: {  	v21 =	vld [tilespmem:s17+$0xDE80]  }
0x2e2: {  	v22 =	vld [tilespmem:s15+$0x11080];
	v0 =	vadd.f32 v16, v0;
	v1 =	vadd.f32 v17, v1  }
0x2e3: {  	v23 =	vld [tilespmem:s17+$0xDF00]  }
0x2e4: {  	v24 =	vld [tilespmem:s15+$0x11100];
	v0 =	vadd.f32 v18, v0;
	v1 =	vadd.f32 v19, v1  }
0x2e5: {  	v25 =	vld [tilespmem:s17+$0xDF80]  }
0x2e6: {  	v26 =	vld [tilespmem:s15+$0x11180];
	v0 =	vadd.f32 v20, v0;
	v1 =	vadd.f32 v21, v1  }
0x2e7: {  	v27 =	vld [tilespmem:s17+$0xE000]  }
0x2e8: {  	v28 =	vld [tilespmem:s15+$0x11200];
	v0 =	vadd.f32 v22, v0;
	v1 =	vadd.f32 v23, v1  }
0x2e9: {  	v29 =	vld [tilespmem:s17+$0xE080]  }
0x2ea: {  	v30 =	vld [tilespmem:s15+$0x11280];
	v0 =	vadd.f32 v24, v0;
	v1 =	vadd.f32 v25, v1  }
0x2eb: {  	v31 =	vld [tilespmem:s17+$0xE100]  }
0x2ec: {  	v32 =	vld [tilespmem:s15+$0x11300];
	v0 =	vadd.f32 v26, v0;
	v1 =	vadd.f32 v27, v1  }
0x2ed: {  	v33 =	vld [tilespmem:s17+$0xE180]  }
0x2ee: {  	v34 =	vld [tilespmem:s15+$0x11380];
	v0 =	vadd.f32 v28, v0;
	v1 =	vadd.f32 v29, v1  }
0x2ef: {  	v35 =	vld [tilespmem:s17+$0xE200]  }
0x2f0: {  	v36 =	vld [tilespmem:s15+$0x11400];
	v0 =	vadd.f32 v30, v0;
	v1 =	vadd.f32 v31, v1  }
0x2f1: {  	v37 =	vld [tilespmem:s17+$0xE280]  }
0x2f2: {  	v38 =	vld [tilespmem:s15+$0x11480];
	v0 =	vadd.f32 v32, v0;
	v1 =	vadd.f32 v33, v1  }
0x2f3: {  	v39 =	vld [tilespmem:s17+$0xE300]  }
0x2f4: {  	v40 =	vld [tilespmem:s15+$0x11500];
	v0 =	vadd.f32 v34, v0;
	v1 =	vadd.f32 v35, v1  }
0x2f5: {  	v41 =	vld [tilespmem:s17+$0xE380]  }
0x2f6: {  	v42 =	vld [tilespmem:s15+$0x11580];
	v0 =	vadd.f32 v36, v0;
	v1 =	vadd.f32 v37, v1  }
0x2f7: {  	v43 =	vld [tilespmem:s17+$0xE400]  }
0x2f8: {  	v44 =	vld [tilespmem:s15+$0x11600];
	v0 =	vadd.f32 v38, v0;
	v1 =	vadd.f32 v39, v1  }
0x2f9: {  	v45 =	vld [tilespmem:s17+$0xE480]  }
0x2fa: {  	v46 =	vld [tilespmem:s15+$0x11680];
	v0 =	vadd.f32 v40, v0;
	v1 =	vadd.f32 v41, v1  }
0x2fb: {  	v47 =	vld [tilespmem:s17+$0xE500]  }
0x2fc: {  	v48 =	vld [tilespmem:s15+$0x11700];
	v0 =	vadd.f32 v42, v0;
	v1 =	vadd.f32 v43, v1  }
0x2fd: {  	v49 =	vld [tilespmem:s17+$0xE580]  }
0x2fe: {  	v50 =	vld [tilespmem:s15+$0x11780];
	v0 =	vadd.f32 v44, v0;
	v1 =	vadd.f32 v45, v1  }
0x2ff: {  	v51 =	vld [tilespmem:s17+$0xE600]  }
0x300: {  	v52 =	vld [tilespmem:s15+$0x11800];
	v0 =	vadd.f32 v46, v0;
	v1 =	vadd.f32 v47, v1  }
0x301: {  	v53 =	vld [tilespmem:s17+$0xE680]  }
0x302: {  	v54 =	vld [tilespmem:s15+$0x11880];
	v0 =	vadd.f32 v48, v0;
	v1 =	vadd.f32 v49, v1  }
0x303: {  	v55 =	vld [tilespmem:s17+$0xE700]  }
0x304: {  	v56 =	vld [tilespmem:s15+$0x11900];
	v0 =	vadd.f32 v50, v0;
	v1 =	vadd.f32 v51, v1  }
0x305: {  	v57 =	vld [tilespmem:s17+$0xE780]  }
0x306: {  	v58 =	vld [tilespmem:s15+$0x11980];
	v0 =	vadd.f32 v52, v0;
	v1 =	vadd.f32 v53, v1  }
0x307: {  	v59 =	vld [tilespmem:s17+$0xE800]  }
0x308: {  	v60 =	vld [tilespmem:s15+$0x11A00];
	v0 =	vadd.f32 v54, v0;
	v1 =	vadd.f32 v55, v1  }
0x309: {  	v61 =	vld [tilespmem:s17+$0xE880]  }
0x30a: {  	v62 =	vld [tilespmem:s15+$0x11A80];
	v0 =	vadd.f32 v56, v0;
	v1 =	vadd.f32 v57, v1  }
0x30b: {  	v63 =	vld [tilespmem:s17+$0xE900]  }
0x30c: {  	v9 =	vld [tilespmem:s15+$0x11B00];
	v0 =	vadd.f32 v58, v0;
	v1 =	vadd.f32 v59, v1  }
0x30d: {  	v10 =	vld [tilespmem:s17+$0xE980]  }
0x30e: {  	v11 =	vld [tilespmem:s15+$0x11B80];
	v0 =	vadd.f32 v60, v0;
	v1 =	vadd.f32 v61, v1  }
0x30f: {  	v12 =	vld [tilespmem:s17+$0xEA00]  }
0x310: {  	v13 =	vld [tilespmem:s15+$0x11C00];
	v0 =	vadd.f32 v62, v0;
	v1 =	vadd.f32 v63, v1  }
0x311: {  	v14 =	vld [tilespmem:s17+$0xEA80]  }
0x312: {  	v15 =	vld [tilespmem:s15+$0x11C80];
	v0 =	vadd.f32 v9, v0;
	v1 =	vadd.f32 v10, v1  }
0x313: {  	v16 =	vld [tilespmem:s17+$0xEB00]  }
0x314: {  	v17 =	vld [tilespmem:s15+$0x11D00];
	v0 =	vadd.f32 v11, v0;
	v1 =	vadd.f32 v12, v1  }
0x315: {  	v18 =	vld [tilespmem:s17+$0xEB80]  }
0x316: {  	v19 =	vld [tilespmem:s15+$0x11D80];
	v0 =	vadd.f32 v13, v0;
	v1 =	vadd.f32 v14, v1  }
0x317: {  	v20 =	vld [tilespmem:s17+$0xEC00]  }
0x318: {  	v21 =	vld [tilespmem:s15+$0x11E00];
	v0 =	vadd.f32 v15, v0;
	v1 =	vadd.f32 v16, v1  }
0x319: {  	v22 =	vld [tilespmem:s17+$0xEC80]  }
0x31a: {  	v23 =	vld [tilespmem:s15+$0x11E80];
	v0 =	vadd.f32 v17, v0;
	v1 =	vadd.f32 v18, v1  }
0x31b: {  	v24 =	vld [tilespmem:s17+$0xED00]  }
0x31c: {  	v25 =	vld [tilespmem:s15+$0x11F00];
	v0 =	vadd.f32 v19, v0;
	v1 =	vadd.f32 v20, v1  }
0x31d: {  	v26 =	vld [tilespmem:s17+$0xED80]  }
0x31e: {  	v27 =	vld [tilespmem:s15+$0x11F80];
	v0 =	vadd.f32 v21, v0;
	v1 =	vadd.f32 v22, v1  }
0x31f: {  	v28 =	vld [tilespmem:s17+$0xEE00]  }
0x320: {  	v29 =	vld [tilespmem:s15+$0x12000];
	v0 =	vadd.f32 v23, v0;
	v1 =	vadd.f32 v24, v1  }
0x321: {  	v30 =	vld [tilespmem:s17+$0xEE80]  }
0x322: {  	v31 =	vld [tilespmem:s15+$0x12080];
	v0 =	vadd.f32 v25, v0;
	v1 =	vadd.f32 v26, v1  }
0x323: {  	v32 =	vld [tilespmem:s17+$0xEF00]  }
0x324: {  	v33 =	vld [tilespmem:s15+$0x12100];
	v0 =	vadd.f32 v27, v0;
	v1 =	vadd.f32 v28, v1  }
0x325: {  	v34 =	vld [tilespmem:s17+$0xEF80]  }
0x326: {  	v35 =	vld [tilespmem:s15+$0x12180];
	v0 =	vadd.f32 v29, v0;
	v1 =	vadd.f32 v30, v1  }
0x327: {  	v36 =	vld [tilespmem:s17+$0xF000]  }
0x328: {  	v37 =	vld [tilespmem:s15+$0x12200];
	v0 =	vadd.f32 v31, v0;
	v1 =	vadd.f32 v32, v1  }
0x329: {  	v38 =	vld [tilespmem:s17+$0xF080]  }
0x32a: {  	v39 =	vld [tilespmem:s15+$0x12280];
	v0 =	vadd.f32 v33, v0;
	v1 =	vadd.f32 v34, v1  }
0x32b: {  	v40 =	vld [tilespmem:s17+$0xF100]  }
0x32c: {  	v41 =	vld [tilespmem:s15+$0x12300];
	v0 =	vadd.f32 v35, v0;
	v1 =	vadd.f32 v36, v1  }
0x32d: {  	v42 =	vld [tilespmem:s17+$0xF180]  }
0x32e: {  	v43 =	vld [tilespmem:s15+$0x12380];
	v0 =	vadd.f32 v37, v0;
	v1 =	vadd.f32 v38, v1  }
0x32f: {  	v44 =	vld [tilespmem:s17+$0xF200]  }
0x330: {  	v45 =	vld [tilespmem:s15+$0x12400];
	v0 =	vadd.f32 v39, v0;
	v1 =	vadd.f32 v40, v1  }
0x331: {  	v46 =	vld [tilespmem:s17+$0xF280]  }
0x332: {  	v47 =	vld [tilespmem:s15+$0x12480];
	v0 =	vadd.f32 v41, v0;
	v1 =	vadd.f32 v42, v1  }
0x333: {  	v48 =	vld [tilespmem:s17+$0xF300]  }
0x334: {  	v49 =	vld [tilespmem:s15+$0x12500];
	v0 =	vadd.f32 v43, v0;
	v1 =	vadd.f32 v44, v1  }
0x335: {  	v50 =	vld [tilespmem:s17+$0xF380]  }
0x336: {  	v51 =	vld [tilespmem:s15+$0x12580];
	v0 =	vadd.f32 v45, v0;
	v1 =	vadd.f32 v46, v1  }
0x337: {  	v52 =	vld [tilespmem:s17+$0xF400]  }
0x338: {  	v53 =	vld [tilespmem:s15+$0x12600];
	v0 =	vadd.f32 v47, v0;
	v1 =	vadd.f32 v48, v1  }
0x339: {  	v54 =	vld [tilespmem:s17+$0xF480]  }
0x33a: {  	v55 =	vld [tilespmem:s15+$0x12680];
	v0 =	vadd.f32 v49, v0;
	v1 =	vadd.f32 v50, v1  }
0x33b: {  	v56 =	vld [tilespmem:s17+$0xF500]  }
0x33c: {  	v57 =	vld [tilespmem:s15+$0x12700];
	v0 =	vadd.f32 v51, v0;
	v1 =	vadd.f32 v52, v1  }
0x33d: {  	v58 =	vld [tilespmem:s17+$0xF580]  }
0x33e: {  	v59 =	vld [tilespmem:s15+$0x12780];
	v0 =	vadd.f32 v53, v0;
	v1 =	vadd.f32 v54, v1  }
0x33f: {  	v60 =	vld [tilespmem:s17+$0xF600]  }
0x340: {  	v61 =	vld [tilespmem:s15+$0x12800];
	v0 =	vadd.f32 v55, v0;
	v1 =	vadd.f32 v56, v1  }
0x341: {  	v62 =	vld [tilespmem:s17+$0xF680]  }
0x342: {  	v63 =	vld [tilespmem:s15+$0x12880];
	v0 =	vadd.f32 v57, v0;
	v1 =	vadd.f32 v58, v1  }
0x343: {  	v9 =	vld [tilespmem:s17+$0xF700]  }
0x344: {  	v10 =	vld [tilespmem:s15+$0x12900];
	v0 =	vadd.f32 v59, v0;
	v1 =	vadd.f32 v60, v1  }
0x345: {  	v11 =	vld [tilespmem:s17+$0xF780]  }
0x346: {  	v12 =	vld [tilespmem:s15+$0x12980];
	v0 =	vadd.f32 v61, v0;
	v1 =	vadd.f32 v62, v1  }
0x347: {  	v13 =	vld [tilespmem:s17+$0xF800]  }
0x348: {  	v14 =	vld [tilespmem:s15+$0x12A00];
	v0 =	vadd.f32 v63, v0;
	v1 =	vadd.f32 v9, v1  }
0x349: {  	v15 =	vld [tilespmem:s17+$0xF880]  }
0x34a: {  	v16 =	vld [tilespmem:s15+$0x12A80];
	v0 =	vadd.f32 v10, v0;
	v1 =	vadd.f32 v11, v1  }
0x34b: {  	v17 =	vld [tilespmem:s17+$0xF900]  }
0x34c: {  	v18 =	vld [tilespmem:s15+$0x12B00];
	v0 =	vadd.f32 v12, v0;
	v1 =	vadd.f32 v13, v1  }
0x34d: {  	v19 =	vld [tilespmem:s17+$0xF980]  }
0x34e: {  	v20 =	vld [tilespmem:s15+$0x12B80];
	v0 =	vadd.f32 v14, v0;
	v1 =	vadd.f32 v15, v1  }
0x34f: {  	v21 =	vld [tilespmem:s17+$0xFA00]  }
0x350: {  	v0 =	vadd.f32 v16, v0;
	v1 =	vadd.f32 v17, v1  }
0x351: {  	v22 =	vld [tilespmem:s17+$0xFA80]  }
0x352: {  	v0 =	vadd.f32 v18, v0;
	v1 =	vadd.f32 v19, v1  }
0x353: {  	v23 =	vld [tilespmem:s17+$0xFB00]  }
0x354: {  	v0 =	vadd.f32 v20, v0;
	v1 =	vadd.f32 v21, v1  }
0x355: {  	v24 =	vld [tilespmem:s17+$0xFB80]  }
0x356: {  	v0 =	vmul.f32 $4.999999890e-03, v0;
	v1 =	vadd.f32 v22, v1  }
0x357: {  	v25 =	vld [tilespmem:s17+$0xFC00]  }
0x358: {  	[tilespmem:s15+$0x12C00] =	vst v0;
	v26 =	vadd.f32 v23, v1  }
0x359: {  	v27 =	vld [tilespmem:s17+$0xFC80]  }
0x35a: {  	v0 =	vadd.f32 v24, v26  }
0x35b: {  	v28 =	vld [tilespmem:s17+$0xFD00]  }
0x35c: {  	v0 =	vadd.f32 v25, v0  }
0x35d: {  	v29 =	vld [tilespmem:s17+$0xFD80]  }
0x35e: {  	v0 =	vadd.f32 v27, v0  }
0x35f: {  	v30 =	vld [tilespmem:s17+$0xFE00]  }
0x360: {  	v0 =	vadd.f32 v28, v0  }
0x361: {  	v31 =	vld [tilespmem:s17+$0xFE80]  }
0x362: {  	v0 =	vadd.f32 v29, v0  }
0x363: {  	v32 =	vld [tilespmem:s17+$0xFF00]  }
0x364: {  	v0 =	vadd.f32 v30, v0  }
0x365: {  	v33 =	vld [tilespmem:s17+$0xFF80]  }
0x366: {  	v0 =	vadd.f32 v31, v0  }
0x367: {  	v34 =	vld [tilespmem:s17+$0x10000]  }
0x368: {  	v0 =	vadd.f32 v32, v0  }
0x369: {  	v35 =	vld [tilespmem:s17+$0x10080]  }
0x36a: {  	v0 =	vadd.f32 v33, v0  }
0x36b: {  	v36 =	vld [tilespmem:s17+$0x10100]  }
0x36c: {  	v0 =	vadd.f32 v34, v0  }
0x36d: {  	v37 =	vld [tilespmem:s17+$0x10180]  }
0x36e: {  	v0 =	vadd.f32 v35, v0  }
0x36f: {  	v38 =	vld [tilespmem:s17+$0x10200]  }
0x370: {  	v0 =	vadd.f32 v36, v0  }
0x371: {  	v39 =	vld [tilespmem:s17+$0x10280]  }
0x372: {  	v0 =	vadd.f32 v37, v0  }
0x373: {  	v40 =	vld [tilespmem:s17+$0x10300]  }
0x374: {  	v0 =	vadd.f32 v38, v0  }
0x375: {  	v41 =	vld [tilespmem:s17+$0x10380]  }
0x376: {  	v0 =	vadd.f32 v39, v0  }
0x377: {  	v42 =	vld [tilespmem:s17+$0x10400]  }
0x378: {  	v0 =	vadd.f32 v40, v0  }
0x379: {  	v43 =	vld [tilespmem:s17+$0x10480]  }
0x37a: {  	v0 =	vadd.f32 v41, v0  }
0x37b: {  	v44 =	vld [tilespmem:s17+$0x10500]  }
0x37c: {  	v0 =	vadd.f32 v42, v0  }
0x37d: {  	v45 =	vld [tilespmem:s17+$0x10580]  }
0x37e: {  	v0 =	vadd.f32 v43, v0  }
0x37f: {  	v46 =	vld [tilespmem:s17+$0x10600]  }
0x380: {  	v0 =	vadd.f32 v44, v0  }
0x381: {  	v47 =	vld [tilespmem:s17+$0x10680]  }
0x382: {  	v0 =	vadd.f32 v45, v0  }
0x383: {  	v48 =	vld [tilespmem:s17+$0x10700]  }
0x384: {  	v0 =	vadd.f32 v46, v0  }
0x385: {  	v49 =	vld [tilespmem:s17+$0x10780]  }
0x386: {  	v0 =	vadd.f32 v47, v0  }
0x387: {  	v50 =	vld [tilespmem:s17+$0x10800]  }
0x388: {  	v0 =	vadd.f32 v48, v0  }
0x389: {  	v51 =	vld [tilespmem:s17+$0x10880]  }
0x38a: {  	v0 =	vadd.f32 v49, v0  }
0x38b: {  	v52 =	vld [tilespmem:s17+$0x10900]  }
0x38c: {  	v0 =	vadd.f32 v50, v0  }
0x38d: {  	v53 =	vld [tilespmem:s17+$0x10980]  }
0x38e: {  	v0 =	vadd.f32 v51, v0  }
0x38f: {  	v54 =	vld [tilespmem:s17+$0x10A00]  }
0x390: {  	v0 =	vadd.f32 v52, v0  }
0x391: {  	v55 =	vld [tilespmem:s17+$0x10A80]  }
0x392: {  	v0 =	vadd.f32 v53, v0  }
0x393: {  	v56 =	vld [tilespmem:s17+$0x10B00]  }
0x394: {  	v0 =	vadd.f32 v54, v0  }
0x395: {  	v57 =	vld [tilespmem:s17+$0x10B80]  }
0x396: {  	v0 =	vadd.f32 v55, v0  }
0x397: {  	v58 =	vld [tilespmem:s17+$0x10C00]  }
0x398: {  	v0 =	vadd.f32 v56, v0  }
0x399: {  	v59 =	vld [tilespmem:s17+$0x10C80]  }
0x39a: {  	v0 =	vadd.f32 v57, v0  }
0x39b: {  	v60 =	vld [tilespmem:s17+$0x10D00]  }
0x39c: {  	v0 =	vadd.f32 v58, v0  }
0x39d: {  	v61 =	vld [tilespmem:s17+$0x10D80]  }
0x39e: {  	v0 =	vadd.f32 v59, v0  }
0x39f: {  	v62 =	vld [tilespmem:s17+$0x10E00]  }
0x3a0: {  	v0 =	vadd.f32 v60, v0  }
0x3a1: {  	v63 =	vld [tilespmem:s17+$0x10E80]  }
0x3a2: {  	v0 =	vadd.f32 v61, v0  }
0x3a3: {  	v6 =	vld [tilespmem:s17+$0x10F00]  }
0x3a4: {  	v0 =	vadd.f32 v62, v0  }
0x3a5: {  	v7 =	vld [tilespmem:s17+$0x10F80]  }
0x3a6: {  	v0 =	vadd.f32 v63, v0  }
0x3a7: {  	v8 =	vld [tilespmem:s17+$0x11000]  }
0x3a8: {  	v0 =	vadd.f32 v6, v0  }
0x3a9: {  	v9 =	vld [tilespmem:s17+$0x11080]  }
0x3aa: {  	v0 =	vadd.f32 v7, v0  }
0x3ab: {  	v10 =	vld [tilespmem:s17+$0x11100]  }
0x3ac: {  	v0 =	vadd.f32 v8, v0  }
0x3ad: {  	v11 =	vld [tilespmem:s17+$0x11180]  }
0x3ae: {  	v0 =	vadd.f32 v9, v0  }
0x3af: {  	v12 =	vld [tilespmem:s17+$0x11200]  }
0x3b0: {  	v0 =	vadd.f32 v10, v0  }
0x3b1: {  	v13 =	vld [tilespmem:s17+$0x11280]  }
0x3b2: {  	v0 =	vadd.f32 v11, v0  }
0x3b3: {  	v14 =	vld [tilespmem:s17+$0x11300]  }
0x3b4: {  	v0 =	vadd.f32 v12, v0  }
0x3b5: {  	v15 =	vld [tilespmem:s17+$0x11380]  }
0x3b6: {  	v0 =	vadd.f32 v13, v0  }
0x3b7: {  	v16 =	vld [tilespmem:s17+$0x11400]  }
0x3b8: {  	v0 =	vadd.f32 v14, v0  }
0x3b9: {  	v17 =	vld [tilespmem:s17+$0x11480]  }
0x3ba: {  	v0 =	vadd.f32 v15, v0  }
0x3bb: {  	v18 =	vld [tilespmem:s17+$0x11500]  }
0x3bc: {  	v0 =	vadd.f32 v16, v0  }
0x3bd: {  	v19 =	vld [tilespmem:s17+$0x11580]  }
0x3be: {  	v0 =	vadd.f32 v17, v0  }
0x3bf: {  	v20 =	vld [tilespmem:s17+$0x11600]  }
0x3c0: {  	v0 =	vadd.f32 v18, v0  }
0x3c1: {  	v21 =	vld [tilespmem:s17+$0x11680]  }
0x3c2: {  	v0 =	vadd.f32 v19, v0  }
0x3c3: {  	v22 =	vld [tilespmem:s17+$0x11700]  }
0x3c4: {  	v0 =	vadd.f32 v20, v0  }
0x3c5: {  	v23 =	vld [tilespmem:s17+$0x11780]  }
0x3c6: {  	v0 =	vadd.f32 v21, v0  }
0x3c7: {  	v24 =	vld [tilespmem:s17+$0x11800]  }
0x3c8: {  	v0 =	vadd.f32 v22, v0  }
0x3c9: {  	v25 =	vld [tilespmem:s17+$0x11880]  }
0x3ca: {  	v0 =	vadd.f32 v23, v0  }
0x3cb: {  	v26 =	vld [tilespmem:s17+$0x11900]  }
0x3cc: {  	v0 =	vadd.f32 v24, v0  }
0x3cd: {  	v27 =	vld [tilespmem:s17+$0x11980]  }
0x3ce: {  	v0 =	vadd.f32 v25, v0  }
0x3cf: {  	v28 =	vld [tilespmem:s17+$0x11A00]  }
0x3d0: {  	v0 =	vadd.f32 v26, v0  }
0x3d1: {  	v29 =	vld [tilespmem:s17+$0x11A80]  }
0x3d2: {  	v0 =	vadd.f32 v27, v0  }
0x3d3: {  	v30 =	vld [tilespmem:s17+$0x11B00]  }
0x3d4: {  	v0 =	vadd.f32 v28, v0  }
0x3d5: {  	v31 =	vld [tilespmem:s17+$0x11B80]  }
0x3d6: {  	v0 =	vadd.f32 v29, v0  }
0x3d7: {  	v32 =	vld [tilespmem:s17+$0x11C00]  }
0x3d8: {  	v0 =	vadd.f32 v30, v0  }
0x3d9: {  	v33 =	vld [tilespmem:s17+$0x11C80]  }
0x3da: {  	v0 =	vadd.f32 v31, v0  }
0x3db: {  	v34 =	vld [tilespmem:s17+$0x11D00]  }
0x3dc: {  	v0 =	vadd.f32 v32, v0  }
0x3dd: {  	v35 =	vld [tilespmem:s17+$0x11D80]  }
0x3de: {  	v0 =	vadd.f32 v33, v0  }
0x3df: {  	v36 =	vld [tilespmem:s17+$0x11E00]  }
0x3e0: {  	v0 =	vadd.f32 v34, v0  }
0x3e1: {  	v37 =	vld [tilespmem:s17+$0x11E80]  }
0x3e2: {  	v0 =	vadd.f32 v35, v0  }
0x3e3: {  	v38 =	vld [tilespmem:s17+$0x11F00]  }
0x3e4: {  	v0 =	vadd.f32 v36, v0  }
0x3e5: {  	v39 =	vld [tilespmem:s17+$0x11F80]  }
0x3e6: {  	v0 =	vadd.f32 v37, v0  }
0x3e7: {  	v40 =	vld [tilespmem:s17+$0x12000]  }
0x3e8: {  	v0 =	vadd.f32 v38, v0  }
0x3e9: {  	v41 =	vld [tilespmem:s17+$0x12080]  }
0x3ea: {  	v0 =	vadd.f32 v39, v0  }
0x3eb: {  	v42 =	vld [tilespmem:s17+$0x12100]  }
0x3ec: {  	v0 =	vadd.f32 v40, v0  }
0x3ed: {  	v43 =	vld [tilespmem:s17+$0x12180]  }
0x3ee: {  	v0 =	vadd.f32 v41, v0  }
0x3ef: {  	v44 =	vld [tilespmem:s17+$0x12200]  }
0x3f0: {  	v0 =	vadd.f32 v42, v0  }
0x3f1: {  	v45 =	vld [tilespmem:s17+$0x12280]  }
0x3f2: {  	v0 =	vadd.f32 v43, v0  }
0x3f3: {  	v46 =	vld [tilespmem:s17+$0x12300]  }
0x3f4: {  	v0 =	vadd.f32 v44, v0  }
0x3f5: {  	v47 =	vld [tilespmem:s17+$0x12380]  }
0x3f6: {  	v0 =	vadd.f32 v45, v0  }
0x3f7: {  	v48 =	vld [tilespmem:s17+$0x12400]  }
0x3f8: {  	v0 =	vadd.f32 v46, v0  }
0x3f9: {  	v49 =	vld [tilespmem:s17+$0x12480]  }
0x3fa: {  	v0 =	vadd.f32 v47, v0  }
0x3fb: {  	v50 =	vld [tilespmem:s17+$0x12500]  }
0x3fc: {  	v0 =	vadd.f32 v48, v0  }
0x3fd: {  	v51 =	vld [tilespmem:s17+$0x12580]  }
0x3fe: {  	v0 =	vadd.f32 v49, v0  }
0x3ff: {  	v52 =	vld [tilespmem:s17+$0x12600]  }
0x400: {  	v0 =	vadd.f32 v50, v0  }
0x401: {  	v53 =	vld [tilespmem:s17+$0x12680]  }
0x402: {  	v0 =	vadd.f32 v51, v0  }
0x403: {  	v54 =	vld [tilespmem:s17+$0x12700]  }
0x404: {  	v0 =	vadd.f32 v52, v0  }
0x405: {  	v55 =	vld [tilespmem:s17+$0x12780]  }
0x406: {  	v0 =	vadd.f32 v53, v0  }
0x407: {  	v56 =	vld [tilespmem:s17+$0x12800]  }
0x408: {  	v0 =	vadd.f32 v54, v0  }
0x409: {  	v57 =	vld [tilespmem:s17+$0x12880]  }
0x40a: {  	v0 =	vadd.f32 v55, v0  }
0x40b: {  	v58 =	vld [tilespmem:s17+$0x12900]  }
0x40c: {  	v0 =	vadd.f32 v56, v0  }
0x40d: {  	v59 =	vld [tilespmem:s17+$0x12980]  }
0x40e: {  	v0 =	vadd.f32 v57, v0  }
0x40f: {  	v60 =	vld [tilespmem:s17+$0x12A00]  }
0x410: {  	v0 =	vadd.f32 v58, v0  }
0x411: {  	v61 =	vld [tilespmem:s17+$0x12A80]  }
0x412: {  	v0 =	vadd.f32 v59, v0  }
0x413: {  	v62 =	vld [tilespmem:s17+$0x12B00]  }
0x414: {  	v0 =	vadd.f32 v60, v0  }
0x415: {  	v63 =	vld [tilespmem:s17+$0x12B80]  }
0x416: {  	v0 =	vadd.f32 v61, v0;
	_ =	sdelay $0x1  }
0x417: {  	v0 =	vadd.f32 v62, v0;
	_ =	sdelay $0x1  }
0x418: {  	v0 =	vadd.f32 v63, v0;
	_ =	sdelay $0x1  }
0x419: {  	s14 =	sadd.s32 $0x1, s14;
	v0 =	vmul.f32 $4.999999890e-03, v0  }
0x41a: {  	p0 =	sne.s32 s14, s6  }
.Ltmp2:
0x41b: {  	[tilespmem:s17+$0x12C00] =	vst v0;
	(pc) =	sbr.rel @p0 .LBB2_1-.Ltmp2, $4  }
0x41c: {  	[hbm4b:s5+s2] =	stream.linear.scatter [tilespmem:s13], [sflag:$0x2], $0x80, $0x38;
	[tilespmem:$0x12C80] =	vst v63  }
0x41d: {  	_ =	swait.ge [sflag:s9], $0x80  }
0x41e: {  	[sflag:s9] =	ssyncset.done $0x0  }
0x41f: {  	[sflag:s9] =	ssyncadd.s32 $0xFFFFFF80  }
0x420: {  	_ =	sfence.sel $0x180000  }
0x421: {  	[bflag:$0x0] =	sbarrier.arrive $0xFFFF  }
0x422: {  	p0 =	sne.s32 s1, $0x0;
	_ =	strace $0x90000047  }
0x423: {  	s0 =	sadd.s32 @!p0 $0x100000, s0;
	[bflag:$0x2] =	sbarrier.arrive $0xFFFF  }
0x424: {  	[sflag:s0] =	ssyncadd.tile.s32 @!p0 $0x1;
	_ =	shalt  }
.Lfunc_end2:
_tile_overlayer_lowered:
.L_overlay_start_2:
0x425: {  	(tag) =	ssettag $0x2  }
0x426: {  	s0 =	rddreg [dreg:$0x0];
	s2 =	stileid.u32  }
0x427: {  	s1 =	rddreg [dreg:$0x1];
	p0 =	sne.s32 s2, $0x0  }
0x428: {  	s3 =	rddreg [dreg:$0x2];
	[bflag:$0x3] =	sbarrier.arrive $0xFFFF;
	s2 =	simm.s32 @!p0 $0x1C02  }
0x429: {  	[timem:s3], [sflag:s2] =	dma.local @!p0 [hbm:s0], s1  }
0x42a: {  	s0 =	simm.s32 @!p0 $0x2  }
0x42b: {  	_ =	swait.ge @!p0 [sflag:s0], s1  }
0x42c: {  	s1 =	ssub.s32 @!p0 $0x0, s1;
	[sflag:s0] =	ssyncset.done @!p0 $0x0  }
0x42d: {  	[sflag:s0] =	ssyncadd.s32 @!p0 s1  }
0x42e: {  	[bflag:$0x3] =	sbarrier.arrive $0xFFFF  }
0x42f: {  	_ =	shalt  }

</sc_bundles>
